<compile_context>
chip_gen: v7x
topology: tpu7x:2x2x1
jax: 0.10.2.dev20260603
libtpu: 0.0.44.dev20260713+nightly
codegen_flags: <defaults>
</compile_context>

<pallas_src>
import functools

import jax
import jax.numpy as jnp
from jax import lax
from jax.experimental import pallas as pl
from jax.experimental.pallas import tpu as pltpu
from jax.experimental.pallas import tpu_sc as plsc

TOPK = 2
NE = 64
D = 768

NW = 32
L = 16


def _softmax_body(x_ref, w_ref, pf_ref, pt_ref):
    x = x_ref[0]
    w = w_ref[...]
    logits = jax.lax.dot_general(
        x, w, (((1,), (1,)), ((), ())), preferred_element_type=jnp.float32)
    mx = jnp.max(logits, axis=-1, keepdims=True)
    e = jnp.exp(logits - mx)
    s = jnp.sum(e, axis=-1, keepdims=True)
    probs = e * (1.0 / s)
    pf_ref[0] = probs
    pt_ref[0] = probs.T


def _tc_softmax(inputs, W):
    B, S, _ = inputs.shape
    BT = 4096
    NB = S // BT
    return pl.pallas_call(
        _softmax_body,
        grid=(B, NB),
        in_specs=[
            pl.BlockSpec((1, BT, D), lambda b, i: (b, i, 0)),
            pl.BlockSpec((NE, D), lambda b, i: (0, 0)),
        ],
        out_specs=[
            pl.BlockSpec((1, BT, NE), lambda b, i: (b, i, 0)),
            pl.BlockSpec((1, NE, BT), lambda b, i: (b, 0, i)),
        ],
        out_shape=[
            jax.ShapeDtypeStruct((B, S, NE), jnp.float32),
            jax.ShapeDtypeStruct((B, NE, S), jnp.float32),
        ],
    )(inputs, W)


def _make_sc_topk(B, S, CH):
    TPW = B * S // NW
    NCH = TPW // CH
    NG = CH // L
    WPB = S // TPW

    mesh = plsc.VectorSubcoreMesh(core_axis_name="c", subcore_axis_name="s")

    @functools.partial(
        pl.kernel,
        out_type=[
            jax.ShapeDtypeStruct((B, S, NE), jnp.float32),
            jax.ShapeDtypeStruct((B, S, TOPK), jnp.int32),
            jax.ShapeDtypeStruct((B, S, NE), jnp.float32),
        ],
        mesh=mesh,
        compiler_params=pltpu.CompilerParams(needs_layout_passes=False),
        scratch_types=[
            pltpu.VMEM((NE, CH), jnp.float32),
            pltpu.VMEM((CH, NE), jnp.float32),
            pltpu.VMEM((CH, NE), jnp.float32),
            pltpu.VMEM((CH, TOPK), jnp.int32),
            pltpu.SemaphoreType.DMA,
        ],
    )
    def sc_topk(pt_hbm, mask_hbm, idx_hbm, rp_hbm, probs_v, mask_v, rp_v, idx_v,
                sem):
        wid = lax.axis_index("c") * 16 + lax.axis_index("s")
        b = wid // WPB
        s_base = (wid % WPB) * TPW
        iota = lax.iota(jnp.int32, L)
        zero_i = jnp.zeros((L,), jnp.int32)
        one_i = jnp.ones((L,), jnp.int32)
        ones_f = jnp.ones((L,), jnp.float32)
        zeros_f = jnp.zeros((L,), jnp.float32)

        def zrow(r, _):
            for k in range(NE // L):
                mask_v[r, pl.ds(k * L, L)] = zeros_f
                rp_v[r, pl.ds(k * L, L)] = zeros_f
            return 0
        lax.fori_loop(0, CH, zrow, 0)

        def chunk_body(ci, _):
            s_off = s_base + ci * CH
            pltpu.sync_copy(pt_hbm.at[b, pl.ds(0, NE), pl.ds(s_off, CH)],
                            probs_v)

            def group_body(g, _):
                rows = g * L + iota
                NBLK = 8
                accs = []
                for k in range(NBLK):
                    m1 = jnp.full((L,), -1.0, jnp.float32)
                    m2 = jnp.full((L,), -1.0, jnp.float32)
                    i1 = zero_i
                    i2 = zero_i
                    for j in range(k * (NE // NBLK), (k + 1) * (NE // NBLK)):
                        jv = jnp.full((L,), j, jnp.int32)
                        v = probs_v[j, pl.ds(g * L, L)]
                        gt1 = v > m1
                        gt2 = v > m2
                        i2 = jnp.where(gt1, i1, jnp.where(gt2, jv, i2))
                        m2 = jnp.where(gt1, m1, jnp.where(gt2, v, m2))
                        i1 = jnp.where(gt1, jv, i1)
                        m1 = jnp.where(gt1, v, m1)
                    accs.append((m1, m2, i1, i2))

                def merge(a, bb):
                    am1, am2, ai1, ai2 = a
                    bm1, bm2, bi1, bi2 = bb
                    gt = bm1 > am1
                    M1 = jnp.where(gt, bm1, am1)
                    I1 = jnp.where(gt, bi1, ai1)
                    c1 = jnp.where(gt, am1, bm1)
                    ci1 = jnp.where(gt, ai1, bi1)
                    c2 = jnp.where(gt, bm2, am2)
                    ci2 = jnp.where(gt, bi2, ai2)
                    gt2 = c2 > c1
                    M2 = jnp.where(gt2, c2, c1)
                    I2 = jnp.where(gt2, ci2, ci1)
                    return (M1, M2, I1, I2)

                acc = accs[0]
                for a in accs[1:]:
                    acc = merge(acc, a)
                m1, m2, i1, i2 = acc
                plsc.store_scatter(mask_v, [rows, i1], ones_f)
                plsc.store_scatter(mask_v, [rows, i2], ones_f)
                denom = m1 + m2
                plsc.store_scatter(rp_v, [rows, i1], m1 / denom)
                plsc.store_scatter(rp_v, [rows, i2], m2 / denom)
                plsc.store_scatter(idx_v, [rows, zero_i], i1)
                plsc.store_scatter(idx_v, [rows, one_i], i2)
                return 0
            lax.fori_loop(0, NG, group_body, 0)

            h1 = pltpu.async_copy(mask_v, mask_hbm.at[b, pl.ds(s_off, CH)], sem)
            h2 = pltpu.async_copy(rp_v, rp_hbm.at[b, pl.ds(s_off, CH)], sem)
            h3 = pltpu.async_copy(idx_v, idx_hbm.at[b, pl.ds(s_off, CH)], sem)
            h1.wait()
            h2.wait()
            h3.wait()

            def rezero(g, _):
                rows = g * L + iota
                i1 = plsc.load_gather(idx_v, [rows, zero_i])
                i2 = plsc.load_gather(idx_v, [rows, one_i])
                plsc.store_scatter(mask_v, [rows, i1], zeros_f)
                plsc.store_scatter(mask_v, [rows, i2], zeros_f)
                plsc.store_scatter(rp_v, [rows, i1], zeros_f)
                plsc.store_scatter(rp_v, [rows, i2], zeros_f)
                return 0
            lax.fori_loop(0, NG, rezero, 0)
            return 0
        lax.fori_loop(0, NCH, chunk_body, 0)

    return sc_topk


def kernel(inputs, W):
    B, S, _ = inputs.shape
    pf, pt = _tc_softmax(inputs, W)
    mask, idx, rp = _make_sc_topk(B, S, CH=256)(pt)
    return (mask, idx, rp, pf)

# --- scband reference (transcript-rebuilt; emitter-appended) ---
"""Pipeline reference for scband-router-27195732918428 (READ-ONLY COPY).

The authoritative reference and input builder live on the scoring server;
editing this copy changes nothing except your own understanding.
"""

import jax, jax.numpy as jnp
import numpy as np

TOP_K = 2
NUM_EXPERTS = 64
D_MODEL = 768


def setup_inputs(seed: int = 0) -> dict:
    key = jax.random.key(seed)
    k1, k2 = jax.random.split(key)
    inputs = jax.random.normal(k1, (4, 8192, D_MODEL), dtype=jnp.float32)
    # nn.Linear(hidden_states, num_experts, bias=False) weight: [num_experts, hidden_states]
    bound = 1.0 / np.sqrt(D_MODEL)
    W = jax.random.uniform(k2, (NUM_EXPERTS, D_MODEL), dtype=jnp.float32, minval=-bound, maxval=bound)
    return {"inputs": inputs, "W": W}


def reference(inputs, W):
    input_shape = inputs.shape
    x = inputs.reshape(-1, input_shape[-1])
    # logits = router(x)  (eval mode: deterministic top-k, not multinomial)
    logits = x @ W.T
    probs = jax.nn.softmax(logits, axis=-1)
    top_vals, top_idx = jax.lax.top_k(probs, TOP_K)
    rows = jnp.arange(x.shape[0])[:, None]
    # router_mask = zeros.scatter_(1, top_k_indices, 1)
    router_mask = jnp.zeros_like(probs).at[rows, top_idx].set(1.0)
    # router_probs = zeros.scatter_(1, top_k_indices, probs.gather(1, top_k_indices))
    router_probs = jnp.zeros_like(probs).at[rows, top_idx].set(top_vals)
    lead = input_shape[:-1]
    top_idx_r = top_idx.reshape(*lead, -1)
    router_mask = router_mask.reshape(*lead, -1)
    router_probs = router_probs.reshape(*lead, -1)
    # normalize=True, top_k=2 -> divide by sum (no detach)
    router_probs = router_probs / jnp.sum(router_probs, axis=-1, keepdims=True)
    probs_full = probs.reshape(*lead, -1)
    return (router_mask, top_idx_r, router_probs, probs_full)

if __name__ == "__main__":
    import jax
    _d = setup_inputs()
    print(jax.jit(kernel)(*tuple(_d.values())))

</pallas_src>

<mosaic_0001>
#map = affine_map<(d0, d1) -> (0, 0, 0)>
module attributes {stable_mosaic.version = 14 : i64} {
  func.func @sc_topk(%arg0: i32, %arg1: i32, %arg2: memref<4x64x8192xf32, #tpu.memory_space<hbm>>, %arg3: memref<4x8192x64xf32, #tpu.memory_space<hbm>>, %arg4: memref<4x8192x2xi32, #tpu.memory_space<hbm>>, %arg5: memref<4x8192x64xf32, #tpu.memory_space<hbm>>, %arg6: memref<64x256xf32, #tpu.memory_space<vmem>>, %arg7: memref<256x64xf32, #tpu.memory_space<vmem>>, %arg8: memref<256x64xf32, #tpu.memory_space<vmem>>, %arg9: memref<256x2xi32, #tpu.memory_space<vmem>>, %arg10: memref<!tpu.dma_semaphore, #tpu.memory_space<semaphore_mem>>) attributes {dimension_semantics = [#tpu.dimension_semantics<core_parallel>, #tpu.dimension_semantics<subcore_parallel>], iteration_bounds = array<i64: 2, 16>, scalar_prefetch = 0 : i64, scratch_operands = 5 : i64, tpu.core_type = #tpu.core_type<sc_vector_subcore>, window_params = [{transform_indices = #map}, {transform_indices = #map}, {transform_indices = #map}, {transform_indices = #map}]} {
    %mul3A = arith.constant 16 : i32
    %mul3A_0 = arith.muli %arg0, %mul3A : i32
    %add3A = arith.addi %mul3A_0, %arg1 : i32
    %jit3A = arith.constant 8 : i32
    %div3A = arith.divsi %add3A, %jit3A : i32
    %sign3A = arith.constant 0 : i32
    %sign3A_1 = arith.cmpi sgt, %add3A, %sign3A : i32
    %sign3A_2 = arith.extui %sign3A_1 : i1 to i32
    %sign3A_3 = arith.constant 0 : i32
    %sign3A_4 = arith.cmpi slt, %add3A, %sign3A_3 : i32
    %sign3A_5 = arith.extui %sign3A_4 : i1 to i32
    %sign3A_6 = arith.subi %sign3A_2, %sign3A_5 : i32
    %sign3A_7 = arith.constant 0 : i32
    %sign3A_8 = arith.cmpi sgt, %jit3A, %sign3A_7 : i32
    %sign3A_9 = arith.extui %sign3A_8 : i1 to i32
    %sign3A_10 = arith.constant 0 : i32
    %sign3A_11 = arith.cmpi slt, %jit3A, %sign3A_10 : i32
    %sign3A_12 = arith.extui %sign3A_11 : i1 to i32
    %sign3A_13 = arith.subi %sign3A_9, %sign3A_12 : i32
    %ne3A = arith.cmpi ne, %sign3A_6, %sign3A_13 : i32
    %rem3A = arith.remsi %add3A, %jit3A : i32
    %ne3A_14 = arith.constant 0 : i32
    %ne3A_15 = arith.cmpi ne, %rem3A, %ne3A_14 : i32
    %and3A = arith.andi %ne3A, %ne3A_15 : i1
    %sub3A = arith.constant 1 : i32
    %sub3A_16 = arith.subi %div3A, %sub3A : i32
    %select_n3A = arith.select %and3A, %sub3A_16, %div3A : i32
    %jit3A_17 = arith.constant 8 : i32
    %eq3A = arith.constant 0 : i32
    %eq3A_18 = arith.cmpi eq, %jit3A_17, %eq3A : i32
    %jit3A_19 = arith.constant 1 : i32
    %select_n3A_20 = arith.select %eq3A_18, %jit3A_19, %jit3A_17 : i32
    %rem3A_21 = arith.remsi %add3A, %select_n3A_20 : i32
    %ne3A_22 = arith.constant 0 : i32
    %ne3A_23 = arith.cmpi ne, %rem3A_21, %ne3A_22 : i32
    %lt3A = arith.constant 0 : i32
    %lt3A_24 = arith.cmpi slt, %rem3A_21, %lt3A : i32
    %lt3A_25 = arith.constant 0 : i32
    %lt3A_26 = arith.cmpi slt, %select_n3A_20, %lt3A_25 : i32
    %ne3A_27 = arith.xori %lt3A_24, %lt3A_26 : i1
    %and3A_28 = arith.andi %ne3A_27, %ne3A_23 : i1
    %add3A_29 = arith.addi %rem3A_21, %select_n3A_20 : i32
    %select_n3A_30 = arith.select %and3A_28, %add3A_29, %rem3A_21 : i32
    %mul3A_31 = arith.constant 1024 : i32
    %mul3A_32 = arith.muli %select_n3A_30, %mul3A_31 : i32
    %iota3A = tpu.iota {dimensions = array<i32: 0>} : vector<16xi32>
    %broadcast_in_dim3A = arith.constant 0 : i32
    %broadcast_in_dim3A_33 = vector.broadcast %broadcast_in_dim3A : i32 to vector<16xi32>
    %broadcast_in_dim3A_34 = arith.constant 1 : i32
    %broadcast_in_dim3A_35 = vector.broadcast %broadcast_in_dim3A_34 : i32 to vector<16xi32>
    %broadcast_in_dim3A_36 = arith.constant 1.000000e+00 : f32
    %broadcast_in_dim3A_37 = vector.broadcast %broadcast_in_dim3A_36 : f32 to vector<16xf32>
    %broadcast_in_dim3A_38 = arith.constant 0.000000e+00 : f32
    %broadcast_in_dim3A_39 = vector.broadcast %broadcast_in_dim3A_38 : f32 to vector<16xf32>
    %scan3A = arith.constant 0 : i32
    %scan3A_40 = arith.constant 0 : i32
    %scan3A_41 = arith.constant 256 : i32
    %scan3A_42 = arith.addi %scan3A_40, %scan3A_41 : i32
    %scan3A_43 = arith.constant 1 : i32
    %scan3A_44 = scf.for %scan3A_53 = %scan3A_40 to %scan3A_42 step %scan3A_43 iter_args(%scan3A_54 = %scan3A) -> (i32)  : i32 {
      %swap3A = arith.index_cast %scan3A_53 : i32 to index
      %swap3A_55 = arith.constant 0 : index
      %swap3A_56 = tpu.vector_load %arg7[%swap3A, %swap3A_55] {strides = array<i32>} : memref<256x64xf32, #tpu.memory_space<vmem>>, vector<16xf32>,
      tpu.vector_store %arg7[%swap3A, %swap3A_55], %broadcast_in_dim3A_39 {strides = array<i32>} : memref<256x64xf32, #tpu.memory_space<vmem>>, vector<16xf32>,
      %swap3A_57 = arith.index_cast %scan3A_53 : i32 to index
      %swap3A_58 = arith.constant 0 : index
      %swap3A_59 = tpu.vector_load %arg8[%swap3A_57, %swap3A_58] {strides = array<i32>} : memref<256x64xf32, #tpu.memory_space<vmem>>, vector<16xf32>,
      tpu.vector_store %arg8[%swap3A_57, %swap3A_58], %broadcast_in_dim3A_39 {strides = array<i32>} : memref<256x64xf32, #tpu.memory_space<vmem>>, vector<16xf32>,
      %swap3A_60 = arith.index_cast %scan3A_53 : i32 to index
      %swap3A_61 = arith.constant 16 : index
      %swap3A_62 = tpu.vector_load %arg7[%swap3A_60, %swap3A_61] {strides = array<i32>} : memref<256x64xf32, #tpu.memory_space<vmem>>, vector<16xf32>,
      tpu.vector_store %arg7[%swap3A_60, %swap3A_61], %broadcast_in_dim3A_39 {strides = array<i32>} : memref<256x64xf32, #tpu.memory_space<vmem>>, vector<16xf32>,
      %swap3A_63 = arith.index_cast %scan3A_53 : i32 to index
      %swap3A_64 = arith.constant 16 : index
      %swap3A_65 = tpu.vector_load %arg8[%swap3A_63, %swap3A_64] {strides = array<i32>} : memref<256x64xf32, #tpu.memory_space<vmem>>, vector<16xf32>,
      tpu.vector_store %arg8[%swap3A_63, %swap3A_64], %broadcast_in_dim3A_39 {strides = array<i32>} : memref<256x64xf32, #tpu.memory_space<vmem>>, vector<16xf32>,
      %swap3A_66 = arith.index_cast %scan3A_53 : i32 to index
      %swap3A_67 = arith.constant 32 : index
      %swap3A_68 = tpu.vector_load %arg7[%swap3A_66, %swap3A_67] {strides = array<i32>} : memref<256x64xf32, #tpu.memory_space<vmem>>, vector<16xf32>,
      tpu.vector_store %arg7[%swap3A_66, %swap3A_67], %broadcast_in_dim3A_39 {strides = array<i32>} : memref<256x64xf32, #tpu.memory_space<vmem>>, vector<16xf32>,
      %swap3A_69 = arith.index_cast %scan3A_53 : i32 to index
      %swap3A_70 = arith.constant 32 : index
      %swap3A_71 = tpu.vector_load %arg8[%swap3A_69, %swap3A_70] {strides = array<i32>} : memref<256x64xf32, #tpu.memory_space<vmem>>, vector<16xf32>,
      tpu.vector_store %arg8[%swap3A_69, %swap3A_70], %broadcast_in_dim3A_39 {strides = array<i32>} : memref<256x64xf32, #tpu.memory_space<vmem>>, vector<16xf32>,
      %swap3A_72 = arith.index_cast %scan3A_53 : i32 to index
      %swap3A_73 = arith.constant 48 : index
      %swap3A_74 = tpu.vector_load %arg7[%swap3A_72, %swap3A_73] {strides = array<i32>} : memref<256x64xf32, #tpu.memory_space<vmem>>, vector<16xf32>,
      tpu.vector_store %arg7[%swap3A_72, %swap3A_73], %broadcast_in_dim3A_39 {strides = array<i32>} : memref<256x64xf32, #tpu.memory_space<vmem>>, vector<16xf32>,
      %swap3A_75 = arith.index_cast %scan3A_53 : i32 to index
      %swap3A_76 = arith.constant 48 : index
      %swap3A_77 = tpu.vector_load %arg8[%swap3A_75, %swap3A_76] {strides = array<i32>} : memref<256x64xf32, #tpu.memory_space<vmem>>, vector<16xf32>,
      tpu.vector_store %arg8[%swap3A_75, %swap3A_76], %broadcast_in_dim3A_39 {strides = array<i32>} : memref<256x64xf32, #tpu.memory_space<vmem>>, vector<16xf32>,
      %scan3A_78 = arith.constant 0 : i32
      scf.yield %scan3A_78 : i32
    }
    %scan3A_45 = arith.constant 256 : i32
    %scan3A_46 = arith.constant 0 : i32
    %scan3A_47 = arith.constant 0 : i32
    %scan3A_48 = arith.constant 4 : i32
    %scan3A_49 = arith.addi %scan3A_47, %scan3A_48 : i32
    %scan3A_50 = arith.constant 1 : i32
    %scan3A_51 = scf.for %scan3A_53 = %scan3A_47 to %scan3A_49 step %scan3A_50 iter_args(%scan3A_54 = %scan3A_46) -> (i32)  : i32 {
      %mul3A_55 = arith.constant 256 : i32
      %mul3A_56 = arith.muli %scan3A_53, %mul3A_55 : i32
      %add3A_57 = arith.addi %mul3A_32, %mul3A_56 : i32
      "tpu.region"() ({
        %run_scoped3A = tpu.sem_alloc : memref<!tpu.dma_semaphore, #tpu.memory_space<semaphore_mem>>
        %dma_start3A_107 = arith.constant 0 : i32
        %dma_start3A_108 = tpu.memref_slice %arg2[%select_n3A, %dma_start3A_107, %add3A_57] : memref<4x64x8192xf32, #tpu.memory_space<hbm>> -> memref<1x64x256xf32, #tpu.memory_space<hbm>>
        %dma_start3A_109 = tpu.memref_squeeze %dma_start3A_108 : memref<1x64x256xf32, #tpu.memory_space<hbm>> -> memref<64x256xf32, #tpu.memory_space<hbm>>
        %dma_start3A_110 = arith.constant 0 : i32
        %dma_start3A_111 = tpu.memref_slice %arg2[%select_n3A, %dma_start3A_110, %add3A_57] : memref<4x64x8192xf32, #tpu.memory_space<hbm>> -> memref<1x64x256xf32, #tpu.memory_space<hbm>>
        %dma_start3A_112 = tpu.memref_squeeze %dma_start3A_111 : memref<1x64x256xf32, #tpu.memory_space<hbm>> -> memref<64x256xf32, #tpu.memory_space<hbm>>
        tpu.enqueue_dma source(%dma_start3A_112 : memref<64x256xf32, #tpu.memory_space<hbm>>) target(%arg6 : memref<64x256xf32, #tpu.memory_space<vmem>>) target_semaphore(%run_scoped3A : memref<!tpu.dma_semaphore, #tpu.memory_space<semaphore_mem>>)
        %dma_wait3A_113 = arith.constant 0 : i32
        %dma_wait3A_114 = tpu.memref_slice %arg2[%select_n3A, %dma_wait3A_113, %add3A_57] : memref<4x64x8192xf32, #tpu.memory_space<hbm>> -> memref<1x64x256xf32, #tpu.memory_space<hbm>>
        %dma_wait3A_115 = tpu.memref_squeeze %dma_wait3A_114 : memref<1x64x256xf32, #tpu.memory_space<hbm>> -> memref<64x256xf32, #tpu.memory_space<hbm>>
        %dma_wait3A_116 = arith.constant 0 : i32
        %dma_wait3A_117 = tpu.memref_slice %arg2[%select_n3A, %dma_wait3A_116, %add3A_57] : memref<4x64x8192xf32, #tpu.memory_space<hbm>> -> memref<1x64x256xf32, #tpu.memory_space<hbm>>
        %dma_wait3A_118 = tpu.memref_squeeze %dma_wait3A_117 : memref<1x64x256xf32, #tpu.memory_space<hbm>> -> memref<64x256xf32, #tpu.memory_space<hbm>>
        tpu.wait_dma2 semaphore(%run_scoped3A : memref<!tpu.dma_semaphore, #tpu.memory_space<semaphore_mem>>) src(%dma_wait3A_118 : memref<64x256xf32, #tpu.memory_space<hbm>>) dst(%arg6 : memref<64x256xf32, #tpu.memory_space<vmem>>)
        tpu.yield
      }) : () -> ()
      %scan3A_58 = arith.constant 0 : i32
      %scan3A_59 = arith.constant 0 : i32
      %scan3A_60 = arith.constant 16 : i32
      %scan3A_61 = arith.addi %scan3A_59, %scan3A_60 : i32
      %scan3A_62 = arith.constant 1 : i32
      %scan3A_63 = scf.for %scan3A_107 = %scan3A_59 to %scan3A_61 step %scan3A_62 iter_args(%scan3A_108 = %scan3A_58) -> (i32)  : i32 {
        %mul3A_109 = arith.constant 16 : i32
        %mul3A_110 = arith.muli %scan3A_107, %mul3A_109 : i32
        %add3A_111 = vector.broadcast %mul3A_110 : i32 to vector<16xi32>
        %add3A_112 = arith.addi %add3A_111, %iota3A : vector<16xi32>
        %broadcast_in_dim3A_113 = arith.constant -1.000000e+00 : f32
        %broadcast_in_dim3A_114 = vector.broadcast %broadcast_in_dim3A_113 : f32 to vector<16xf32>
        %broadcast_in_dim3A_115 = arith.constant -1.000000e+00 : f32
        %broadcast_in_dim3A_116 = vector.broadcast %broadcast_in_dim3A_115 : f32 to vector<16xf32>
        %broadcast_in_dim3A_117 = arith.constant 0 : i32
        %broadcast_in_dim3A_118 = vector.broadcast %broadcast_in_dim3A_117 : i32 to vector<16xi32>
        %mul3A_119 = arith.constant 16 : i32
        %mul3A_120 = arith.muli %scan3A_107, %mul3A_119 : i32
        %get3A = arith.constant 0 : i32
        %get3A_121 = arith.index_cast %get3A : i32 to index
        %get3A_122 = arith.index_cast %mul3A_120 : i32 to index
        %get3A_123 = tpu.vector_load %arg6[%get3A_121, %get3A_122] {strides = array<i32>} : memref<64x256xf32, #tpu.memory_space<vmem>>, vector<16xf32>,
        %gt3A = arith.cmpf ogt, %get3A_123, %broadcast_in_dim3A_114 : vector<16xf32>
        %gt3A_124 = arith.cmpf ogt, %get3A_123, %broadcast_in_dim3A_116 : vector<16xf32>
        %select_n3A_125 = arith.select %gt3A_124, %broadcast_in_dim3A_118, %broadcast_in_dim3A_33 : vector<16xi1>, vector<16xi32>
        %select_n3A_126 = arith.select %gt3A, %broadcast_in_dim3A_33, %select_n3A_125 : vector<16xi1>, vector<16xi32>
        %select_n3A_127 = arith.select %gt3A_124, %get3A_123, %broadcast_in_dim3A_116 : vector<16xi1>, vector<16xf32>
        %select_n3A_128 = arith.select %gt3A, %broadcast_in_dim3A_114, %select_n3A_127 : vector<16xi1>, vector<16xf32>
        %select_n3A_129 = arith.select %gt3A, %broadcast_in_dim3A_118, %broadcast_in_dim3A_33 : vector<16xi1>, vector<16xi32>
        %select_n3A_130 = arith.select %gt3A, %get3A_123, %broadcast_in_dim3A_114 : vector<16xi1>, vector<16xf32>
        %broadcast_in_dim3A_131 = arith.constant 1 : i32
        %broadcast_in_dim3A_132 = vector.broadcast %broadcast_in_dim3A_131 : i32 to vector<16xi32>
        %mul3A_133 = arith.constant 16 : i32
        %mul3A_134 = arith.muli %scan3A_107, %mul3A_133 : i32
        %get3A_135 = arith.constant 1 : i32
        %get3A_136 = arith.index_cast %get3A_135 : i32 to index
        %get3A_137 = arith.index_cast %mul3A_134 : i32 to index
        %get3A_138 = tpu.vector_load %arg6[%get3A_136, %get3A_137] {strides = array<i32>} : memref<64x256xf32, #tpu.memory_space<vmem>>, vector<16xf32>,
        %gt3A_139 = arith.cmpf ogt, %get3A_138, %select_n3A_130 : vector<16xf32>
        %gt3A_140 = arith.cmpf ogt, %get3A_138, %select_n3A_128 : vector<16xf32>
        %select_n3A_141 = arith.select %gt3A_140, %broadcast_in_dim3A_132, %select_n3A_126 : vector<16xi1>, vector<16xi32>
        %select_n3A_142 = arith.select %gt3A_139, %select_n3A_129, %select_n3A_141 : vector<16xi1>, vector<16xi32>
        %select_n3A_143 = arith.select %gt3A_140, %get3A_138, %select_n3A_128 : vector<16xi1>, vector<16xf32>
        %select_n3A_144 = arith.select %gt3A_139, %select_n3A_130, %select_n3A_143 : vector<16xi1>, vector<16xf32>
        %select_n3A_145 = arith.select %gt3A_139, %broadcast_in_dim3A_132, %select_n3A_129 : vector<16xi1>, vector<16xi32>
        %select_n3A_146 = arith.select %gt3A_139, %get3A_138, %select_n3A_130 : vector<16xi1>, vector<16xf32>
        %broadcast_in_dim3A_147 = arith.constant 2 : i32
        %broadcast_in_dim3A_148 = vector.broadcast %broadcast_in_dim3A_147 : i32 to vector<16xi32>
        %mul3A_149 = arith.constant 16 : i32
        %mul3A_150 = arith.muli %scan3A_107, %mul3A_149 : i32
        %get3A_151 = arith.constant 2 : i32
        %get3A_152 = arith.index_cast %get3A_151 : i32 to index
        %get3A_153 = arith.index_cast %mul3A_150 : i32 to index
        %get3A_154 = tpu.vector_load %arg6[%get3A_152, %get3A_153] {strides = array<i32>} : memref<64x256xf32, #tpu.memory_space<vmem>>, vector<16xf32>,
        %gt3A_155 = arith.cmpf ogt, %get3A_154, %select_n3A_146 : vector<16xf32>
        %gt3A_156 = arith.cmpf ogt, %get3A_154, %select_n3A_144 : vector<16xf32>
        %select_n3A_157 = arith.select %gt3A_156, %broadcast_in_dim3A_148, %select_n3A_142 : vector<16xi1>, vector<16xi32>
        %select_n3A_158 = arith.select %gt3A_155, %select_n3A_145, %select_n3A_157 : vector<16xi1>, vector<16xi32>
        %select_n3A_159 = arith.select %gt3A_156, %get3A_154, %select_n3A_144 : vector<16xi1>, vector<16xf32>
        %select_n3A_160 = arith.select %gt3A_155, %select_n3A_146, %select_n3A_159 : vector<16xi1>, vector<16xf32>
        %select_n3A_161 = arith.select %gt3A_155, %broadcast_in_dim3A_148, %select_n3A_145 : vector<16xi1>, vector<16xi32>
        %select_n3A_162 = arith.select %gt3A_155, %get3A_154, %select_n3A_146 : vector<16xi1>, vector<16xf32>
        %broadcast_in_dim3A_163 = arith.constant 3 : i32
        %broadcast_in_dim3A_164 = vector.broadcast %broadcast_in_dim3A_163 : i32 to vector<16xi32>
        %mul3A_165 = arith.constant 16 : i32
        %mul3A_166 = arith.muli %scan3A_107, %mul3A_165 : i32
        %get3A_167 = arith.constant 3 : i32
        %get3A_168 = arith.index_cast %get3A_167 : i32 to index
        %get3A_169 = arith.index_cast %mul3A_166 : i32 to index
        %get3A_170 = tpu.vector_load %arg6[%get3A_168, %get3A_169] {strides = array<i32>} : memref<64x256xf32, #tpu.memory_space<vmem>>, vector<16xf32>,
        %gt3A_171 = arith.cmpf ogt, %get3A_170, %select_n3A_162 : vector<16xf32>
        %gt3A_172 = arith.cmpf ogt, %get3A_170, %select_n3A_160 : vector<16xf32>
        %select_n3A_173 = arith.select %gt3A_172, %broadcast_in_dim3A_164, %select_n3A_158 : vector<16xi1>, vector<16xi32>
        %select_n3A_174 = arith.select %gt3A_171, %select_n3A_161, %select_n3A_173 : vector<16xi1>, vector<16xi32>
        %select_n3A_175 = arith.select %gt3A_172, %get3A_170, %select_n3A_160 : vector<16xi1>, vector<16xf32>
        %select_n3A_176 = arith.select %gt3A_171, %select_n3A_162, %select_n3A_175 : vector<16xi1>, vector<16xf32>
        %select_n3A_177 = arith.select %gt3A_171, %broadcast_in_dim3A_164, %select_n3A_161 : vector<16xi1>, vector<16xi32>
        %select_n3A_178 = arith.select %gt3A_171, %get3A_170, %select_n3A_162 : vector<16xi1>, vector<16xf32>
        %broadcast_in_dim3A_179 = arith.constant 4 : i32
        %broadcast_in_dim3A_180 = vector.broadcast %broadcast_in_dim3A_179 : i32 to vector<16xi32>
        %mul3A_181 = arith.constant 16 : i32
        %mul3A_182 = arith.muli %scan3A_107, %mul3A_181 : i32
        %get3A_183 = arith.constant 4 : i32
        %get3A_184 = arith.index_cast %get3A_183 : i32 to index
        %get3A_185 = arith.index_cast %mul3A_182 : i32 to index
        %get3A_186 = tpu.vector_load %arg6[%get3A_184, %get3A_185] {strides = array<i32>} : memref<64x256xf32, #tpu.memory_space<vmem>>, vector<16xf32>,
        %gt3A_187 = arith.cmpf ogt, %get3A_186, %select_n3A_178 : vector<16xf32>
        %gt3A_188 = arith.cmpf ogt, %get3A_186, %select_n3A_176 : vector<16xf32>
        %select_n3A_189 = arith.select %gt3A_188, %broadcast_in_dim3A_180, %select_n3A_174 : vector<16xi1>, vector<16xi32>
        %select_n3A_190 = arith.select %gt3A_187, %select_n3A_177, %select_n3A_189 : vector<16xi1>, vector<16xi32>
        %select_n3A_191 = arith.select %gt3A_188, %get3A_186, %select_n3A_176 : vector<16xi1>, vector<16xf32>
        %select_n3A_192 = arith.select %gt3A_187, %select_n3A_178, %select_n3A_191 : vector<16xi1>, vector<16xf32>
        %select_n3A_193 = arith.select %gt3A_187, %broadcast_in_dim3A_180, %select_n3A_177 : vector<16xi1>, vector<16xi32>
        %select_n3A_194 = arith.select %gt3A_187, %get3A_186, %select_n3A_178 : vector<16xi1>, vector<16xf32>
        %broadcast_in_dim3A_195 = arith.constant 5 : i32
        %broadcast_in_dim3A_196 = vector.broadcast %broadcast_in_dim3A_195 : i32 to vector<16xi32>
        %mul3A_197 = arith.constant 16 : i32
        %mul3A_198 = arith.muli %scan3A_107, %mul3A_197 : i32
        %get3A_199 = arith.constant 5 : i32
        %get3A_200 = arith.index_cast %get3A_199 : i32 to index
        %get3A_201 = arith.index_cast %mul3A_198 : i32 to index
        %get3A_202 = tpu.vector_load %arg6[%get3A_200, %get3A_201] {strides = array<i32>} : memref<64x256xf32, #tpu.memory_space<vmem>>, vector<16xf32>,
        %gt3A_203 = arith.cmpf ogt, %get3A_202, %select_n3A_194 : vector<16xf32>
        %gt3A_204 = arith.cmpf ogt, %get3A_202, %select_n3A_192 : vector<16xf32>
        %select_n3A_205 = arith.select %gt3A_204, %broadcast_in_dim3A_196, %select_n3A_190 : vector<16xi1>, vector<16xi32>
        %select_n3A_206 = arith.select %gt3A_203, %select_n3A_193, %select_n3A_205 : vector<16xi1>, vector<16xi32>
        %select_n3A_207 = arith.select %gt3A_204, %get3A_202, %select_n3A_192 : vector<16xi1>, vector<16xf32>
        %select_n3A_208 = arith.select %gt3A_203, %select_n3A_194, %select_n3A_207 : vector<16xi1>, vector<16xf32>
        %select_n3A_209 = arith.select %gt3A_203, %broadcast_in_dim3A_196, %select_n3A_193 : vector<16xi1>, vector<16xi32>
        %select_n3A_210 = arith.select %gt3A_203, %get3A_202, %select_n3A_194 : vector<16xi1>, vector<16xf32>
        %broadcast_in_dim3A_211 = arith.constant 6 : i32
        %broadcast_in_dim3A_212 = vector.broadcast %broadcast_in_dim3A_211 : i32 to vector<16xi32>
        %mul3A_213 = arith.constant 16 : i32
        %mul3A_214 = arith.muli %scan3A_107, %mul3A_213 : i32
        %get3A_215 = arith.constant 6 : i32
        %get3A_216 = arith.index_cast %get3A_215 : i32 to index
        %get3A_217 = arith.index_cast %mul3A_214 : i32 to index
        %get3A_218 = tpu.vector_load %arg6[%get3A_216, %get3A_217] {strides = array<i32>} : memref<64x256xf32, #tpu.memory_space<vmem>>, vector<16xf32>,
        %gt3A_219 = arith.cmpf ogt, %get3A_218, %select_n3A_210 : vector<16xf32>
        %gt3A_220 = arith.cmpf ogt, %get3A_218, %select_n3A_208 : vector<16xf32>
        %select_n3A_221 = arith.select %gt3A_220, %broadcast_in_dim3A_212, %select_n3A_206 : vector<16xi1>, vector<16xi32>
        %select_n3A_222 = arith.select %gt3A_219, %select_n3A_209, %select_n3A_221 : vector<16xi1>, vector<16xi32>
        %select_n3A_223 = arith.select %gt3A_220, %get3A_218, %select_n3A_208 : vector<16xi1>, vector<16xf32>
        %select_n3A_224 = arith.select %gt3A_219, %select_n3A_210, %select_n3A_223 : vector<16xi1>, vector<16xf32>
        %select_n3A_225 = arith.select %gt3A_219, %broadcast_in_dim3A_212, %select_n3A_209 : vector<16xi1>, vector<16xi32>
        %select_n3A_226 = arith.select %gt3A_219, %get3A_218, %select_n3A_210 : vector<16xi1>, vector<16xf32>
        %broadcast_in_dim3A_227 = arith.constant 7 : i32
        %broadcast_in_dim3A_228 = vector.broadcast %broadcast_in_dim3A_227 : i32 to vector<16xi32>
        %mul3A_229 = arith.constant 16 : i32
        %mul3A_230 = arith.muli %scan3A_107, %mul3A_229 : i32
        %get3A_231 = arith.constant 7 : i32
        %get3A_232 = arith.index_cast %get3A_231 : i32 to index
        %get3A_233 = arith.index_cast %mul3A_230 : i32 to index
        %get3A_234 = tpu.vector_load %arg6[%get3A_232, %get3A_233] {strides = array<i32>} : memref<64x256xf32, #tpu.memory_space<vmem>>, vector<16xf32>,
        %gt3A_235 = arith.cmpf ogt, %get3A_234, %select_n3A_226 : vector<16xf32>
        %gt3A_236 = arith.cmpf ogt, %get3A_234, %select_n3A_224 : vector<16xf32>
        %select_n3A_237 = arith.select %gt3A_236, %broadcast_in_dim3A_228, %select_n3A_222 : vector<16xi1>, vector<16xi32>
        %select_n3A_238 = arith.select %gt3A_235, %select_n3A_225, %select_n3A_237 : vector<16xi1>, vector<16xi32>
        %select_n3A_239 = arith.select %gt3A_236, %get3A_234, %select_n3A_224 : vector<16xi1>, vector<16xf32>
        %select_n3A_240 = arith.select %gt3A_235, %select_n3A_226, %select_n3A_239 : vector<16xi1>, vector<16xf32>
        %select_n3A_241 = arith.select %gt3A_235, %broadcast_in_dim3A_228, %select_n3A_225 : vector<16xi1>, vector<16xi32>
        %select_n3A_242 = arith.select %gt3A_235, %get3A_234, %select_n3A_226 : vector<16xi1>, vector<16xf32>
        %broadcast_in_dim3A_243 = arith.constant -1.000000e+00 : f32
        %broadcast_in_dim3A_244 = vector.broadcast %broadcast_in_dim3A_243 : f32 to vector<16xf32>
        %broadcast_in_dim3A_245 = arith.constant -1.000000e+00 : f32
        %broadcast_in_dim3A_246 = vector.broadcast %broadcast_in_dim3A_245 : f32 to vector<16xf32>
        %broadcast_in_dim3A_247 = arith.constant 8 : i32
        %broadcast_in_dim3A_248 = vector.broadcast %broadcast_in_dim3A_247 : i32 to vector<16xi32>
        %mul3A_249 = arith.constant 16 : i32
        %mul3A_250 = arith.muli %scan3A_107, %mul3A_249 : i32
        %get3A_251 = arith.constant 8 : i32
        %get3A_252 = arith.index_cast %get3A_251 : i32 to index
        %get3A_253 = arith.index_cast %mul3A_250 : i32 to index
        %get3A_254 = tpu.vector_load %arg6[%get3A_252, %get3A_253] {strides = array<i32>} : memref<64x256xf32, #tpu.memory_space<vmem>>, vector<16xf32>,
        %gt3A_255 = arith.cmpf ogt, %get3A_254, %broadcast_in_dim3A_244 : vector<16xf32>
        %gt3A_256 = arith.cmpf ogt, %get3A_254, %broadcast_in_dim3A_246 : vector<16xf32>
        %select_n3A_257 = arith.select %gt3A_256, %broadcast_in_dim3A_248, %broadcast_in_dim3A_33 : vector<16xi1>, vector<16xi32>
        %select_n3A_258 = arith.select %gt3A_255, %broadcast_in_dim3A_33, %select_n3A_257 : vector<16xi1>, vector<16xi32>
        %select_n3A_259 = arith.select %gt3A_256, %get3A_254, %broadcast_in_dim3A_246 : vector<16xi1>, vector<16xf32>
        %select_n3A_260 = arith.select %gt3A_255, %broadcast_in_dim3A_244, %select_n3A_259 : vector<16xi1>, vector<16xf32>
        %select_n3A_261 = arith.select %gt3A_255, %broadcast_in_dim3A_248, %broadcast_in_dim3A_33 : vector<16xi1>, vector<16xi32>
        %select_n3A_262 = arith.select %gt3A_255, %get3A_254, %broadcast_in_dim3A_244 : vector<16xi1>, vector<16xf32>
        %broadcast_in_dim3A_263 = arith.constant 9 : i32
        %broadcast_in_dim3A_264 = vector.broadcast %broadcast_in_dim3A_263 : i32 to vector<16xi32>
        %mul3A_265 = arith.constant 16 : i32
        %mul3A_266 = arith.muli %scan3A_107, %mul3A_265 : i32
        %get3A_267 = arith.constant 9 : i32
        %get3A_268 = arith.index_cast %get3A_267 : i32 to index
        %get3A_269 = arith.index_cast %mul3A_266 : i32 to index
        %get3A_270 = tpu.vector_load %arg6[%get3A_268, %get3A_269] {strides = array<i32>} : memref<64x256xf32, #tpu.memory_space<vmem>>, vector<16xf32>,
        %gt3A_271 = arith.cmpf ogt, %get3A_270, %select_n3A_262 : vector<16xf32>
        %gt3A_272 = arith.cmpf ogt, %get3A_270, %select_n3A_260 : vector<16xf32>
        %select_n3A_273 = arith.select %gt3A_272, %broadcast_in_dim3A_264, %select_n3A_258 : vector<16xi1>, vector<16xi32>
        %select_n3A_274 = arith.select %gt3A_271, %select_n3A_261, %select_n3A_273 : vector<16xi1>, vector<16xi32>
        %select_n3A_275 = arith.select %gt3A_272, %get3A_270, %select_n3A_260 : vector<16xi1>, vector<16xf32>
        %select_n3A_276 = arith.select %gt3A_271, %select_n3A_262, %select_n3A_275 : vector<16xi1>, vector<16xf32>
        %select_n3A_277 = arith.select %gt3A_271, %broadcast_in_dim3A_264, %select_n3A_261 : vector<16xi1>, vector<16xi32>
        %select_n3A_278 = arith.select %gt3A_271, %get3A_270, %select_n3A_262 : vector<16xi1>, vector<16xf32>
        %broadcast_in_dim3A_279 = arith.constant 10 : i32
        %broadcast_in_dim3A_280 = vector.broadcast %broadcast_in_dim3A_279 : i32 to vector<16xi32>
        %mul3A_281 = arith.constant 16 : i32
        %mul3A_282 = arith.muli %scan3A_107, %mul3A_281 : i32
        %get3A_283 = arith.constant 10 : i32
        %get3A_284 = arith.index_cast %get3A_283 : i32 to index
        %get3A_285 = arith.index_cast %mul3A_282 : i32 to index
        %get3A_286 = tpu.vector_load %arg6[%get3A_284, %get3A_285] {strides = array<i32>} : memref<64x256xf32, #tpu.memory_space<vmem>>, vector<16xf32>,
        %gt3A_287 = arith.cmpf ogt, %get3A_286, %select_n3A_278 : vector<16xf32>
        %gt3A_288 = arith.cmpf ogt, %get3A_286, %select_n3A_276 : vector<16xf32>
        %select_n3A_289 = arith.select %gt3A_288, %broadcast_in_dim3A_280, %select_n3A_274 : vector<16xi1>, vector<16xi32>
        %select_n3A_290 = arith.select %gt3A_287, %select_n3A_277, %select_n3A_289 : vector<16xi1>, vector<16xi32>
        %select_n3A_291 = arith.select %gt3A_288, %get3A_286, %select_n3A_276 : vector<16xi1>, vector<16xf32>
        %select_n3A_292 = arith.select %gt3A_287, %select_n3A_278, %select_n3A_291 : vector<16xi1>, vector<16xf32>
        %select_n3A_293 = arith.select %gt3A_287, %broadcast_in_dim3A_280, %select_n3A_277 : vector<16xi1>, vector<16xi32>
        %select_n3A_294 = arith.select %gt3A_287, %get3A_286, %select_n3A_278 : vector<16xi1>, vector<16xf32>
        %broadcast_in_dim3A_295 = arith.constant 11 : i32
        %broadcast_in_dim3A_296 = vector.broadcast %broadcast_in_dim3A_295 : i32 to vector<16xi32>
        %mul3A_297 = arith.constant 16 : i32
        %mul3A_298 = arith.muli %scan3A_107, %mul3A_297 : i32
        %get3A_299 = arith.constant 11 : i32
        %get3A_300 = arith.index_cast %get3A_299 : i32 to index
        %get3A_301 = arith.index_cast %mul3A_298 : i32 to index
        %get3A_302 = tpu.vector_load %arg6[%get3A_300, %get3A_301] {strides = array<i32>} : memref<64x256xf32, #tpu.memory_space<vmem>>, vector<16xf32>,
        %gt3A_303 = arith.cmpf ogt, %get3A_302, %select_n3A_294 : vector<16xf32>
        %gt3A_304 = arith.cmpf ogt, %get3A_302, %select_n3A_292 : vector<16xf32>
        %select_n3A_305 = arith.select %gt3A_304, %broadcast_in_dim3A_296, %select_n3A_290 : vector<16xi1>, vector<16xi32>
        %select_n3A_306 = arith.select %gt3A_303, %select_n3A_293, %select_n3A_305 : vector<16xi1>, vector<16xi32>
        %select_n3A_307 = arith.select %gt3A_304, %get3A_302, %select_n3A_292 : vector<16xi1>, vector<16xf32>
        %select_n3A_308 = arith.select %gt3A_303, %select_n3A_294, %select_n3A_307 : vector<16xi1>, vector<16xf32>
        %select_n3A_309 = arith.select %gt3A_303, %broadcast_in_dim3A_296, %select_n3A_293 : vector<16xi1>, vector<16xi32>
        %select_n3A_310 = arith.select %gt3A_303, %get3A_302, %select_n3A_294 : vector<16xi1>, vector<16xf32>
        %broadcast_in_dim3A_311 = arith.constant 12 : i32
        %broadcast_in_dim3A_312 = vector.broadcast %broadcast_in_dim3A_311 : i32 to vector<16xi32>
        %mul3A_313 = arith.constant 16 : i32
        %mul3A_314 = arith.muli %scan3A_107, %mul3A_313 : i32
        %get3A_315 = arith.constant 12 : i32
        %get3A_316 = arith.index_cast %get3A_315 : i32 to index
        %get3A_317 = arith.index_cast %mul3A_314 : i32 to index
        %get3A_318 = tpu.vector_load %arg6[%get3A_316, %get3A_317] {strides = array<i32>} : memref<64x256xf32, #tpu.memory_space<vmem>>, vector<16xf32>,
        %gt3A_319 = arith.cmpf ogt, %get3A_318, %select_n3A_310 : vector<16xf32>
        %gt3A_320 = arith.cmpf ogt, %get3A_318, %select_n3A_308 : vector<16xf32>
        %select_n3A_321 = arith.select %gt3A_320, %broadcast_in_dim3A_312, %select_n3A_306 : vector<16xi1>, vector<16xi32>
        %select_n3A_322 = arith.select %gt3A_319, %select_n3A_309, %select_n3A_321 : vector<16xi1>, vector<16xi32>
        %select_n3A_323 = arith.select %gt3A_320, %get3A_318, %select_n3A_308 : vector<16xi1>, vector<16xf32>
        %select_n3A_324 = arith.select %gt3A_319, %select_n3A_310, %select_n3A_323 : vector<16xi1>, vector<16xf32>
        %select_n3A_325 = arith.select %gt3A_319, %broadcast_in_dim3A_312, %select_n3A_309 : vector<16xi1>, vector<16xi32>
        %select_n3A_326 = arith.select %gt3A_319, %get3A_318, %select_n3A_310 : vector<16xi1>, vector<16xf32>
        %broadcast_in_dim3A_327 = arith.constant 13 : i32
        %broadcast_in_dim3A_328 = vector.broadcast %broadcast_in_dim3A_327 : i32 to vector<16xi32>
        %mul3A_329 = arith.constant 16 : i32
        %mul3A_330 = arith.muli %scan3A_107, %mul3A_329 : i32
        %get3A_331 = arith.constant 13 : i32
        %get3A_332 = arith.index_cast %get3A_331 : i32 to index
        %get3A_333 = arith.index_cast %mul3A_330 : i32 to index
        %get3A_334 = tpu.vector_load %arg6[%get3A_332, %get3A_333] {strides = array<i32>} : memref<64x256xf32, #tpu.memory_space<vmem>>, vector<16xf32>,
        %gt3A_335 = arith.cmpf ogt, %get3A_334, %select_n3A_326 : vector<16xf32>
        %gt3A_336 = arith.cmpf ogt, %get3A_334, %select_n3A_324 : vector<16xf32>
        %select_n3A_337 = arith.select %gt3A_336, %broadcast_in_dim3A_328, %select_n3A_322 : vector<16xi1>, vector<16xi32>
        %select_n3A_338 = arith.select %gt3A_335, %select_n3A_325, %select_n3A_337 : vector<16xi1>, vector<16xi32>
        %select_n3A_339 = arith.select %gt3A_336, %get3A_334, %select_n3A_324 : vector<16xi1>, vector<16xf32>
        %select_n3A_340 = arith.select %gt3A_335, %select_n3A_326, %select_n3A_339 : vector<16xi1>, vector<16xf32>
        %select_n3A_341 = arith.select %gt3A_335, %broadcast_in_dim3A_328, %select_n3A_325 : vector<16xi1>, vector<16xi32>
        %select_n3A_342 = arith.select %gt3A_335, %get3A_334, %select_n3A_326 : vector<16xi1>, vector<16xf32>
        %broadcast_in_dim3A_343 = arith.constant 14 : i32
        %broadcast_in_dim3A_344 = vector.broadcast %broadcast_in_dim3A_343 : i32 to vector<16xi32>
        %mul3A_345 = arith.constant 16 : i32
        %mul3A_346 = arith.muli %scan3A_107, %mul3A_345 : i32
        %get3A_347 = arith.constant 14 : i32
        %get3A_348 = arith.index_cast %get3A_347 : i32 to index
        %get3A_349 = arith.index_cast %mul3A_346 : i32 to index
        %get3A_350 = tpu.vector_load %arg6[%get3A_348, %get3A_349] {strides = array<i32>} : memref<64x256xf32, #tpu.memory_space<vmem>>, vector<16xf32>,
        %gt3A_351 = arith.cmpf ogt, %get3A_350, %select_n3A_342 : vector<16xf32>
        %gt3A_352 = arith.cmpf ogt, %get3A_350, %select_n3A_340 : vector<16xf32>
        %select_n3A_353 = arith.select %gt3A_352, %broadcast_in_dim3A_344, %select_n3A_338 : vector<16xi1>, vector<16xi32>
        %select_n3A_354 = arith.select %gt3A_351, %select_n3A_341, %select_n3A_353 : vector<16xi1>, vector<16xi32>
        %select_n3A_355 = arith.select %gt3A_352, %get3A_350, %select_n3A_340 : vector<16xi1>, vector<16xf32>
        %select_n3A_356 = arith.select %gt3A_351, %select_n3A_342, %select_n3A_355 : vector<16xi1>, vector<16xf32>
        %select_n3A_357 = arith.select %gt3A_351, %broadcast_in_dim3A_344, %select_n3A_341 : vector<16xi1>, vector<16xi32>
        %select_n3A_358 = arith.select %gt3A_351, %get3A_350, %select_n3A_342 : vector<16xi1>, vector<16xf32>
        %broadcast_in_dim3A_359 = arith.constant 15 : i32
        %broadcast_in_dim3A_360 = vector.broadcast %broadcast_in_dim3A_359 : i32 to vector<16xi32>
        %mul3A_361 = arith.constant 16 : i32
        %mul3A_362 = arith.muli %scan3A_107, %mul3A_361 : i32
        %get3A_363 = arith.constant 15 : i32
        %get3A_364 = arith.index_cast %get3A_363 : i32 to index
        %get3A_365 = arith.index_cast %mul3A_362 : i32 to index
        %get3A_366 = tpu.vector_load %arg6[%get3A_364, %get3A_365] {strides = array<i32>} : memref<64x256xf32, #tpu.memory_space<vmem>>, vector<16xf32>,
        %gt3A_367 = arith.cmpf ogt, %get3A_366, %select_n3A_358 : vector<16xf32>
        %gt3A_368 = arith.cmpf ogt, %get3A_366, %select_n3A_356 : vector<16xf32>
        %select_n3A_369 = arith.select %gt3A_368, %broadcast_in_dim3A_360, %select_n3A_354 : vector<16xi1>, vector<16xi32>
        %select_n3A_370 = arith.select %gt3A_367, %select_n3A_357, %select_n3A_369 : vector<16xi1>, vector<16xi32>
        %select_n3A_371 = arith.select %gt3A_368, %get3A_366, %select_n3A_356 : vector<16xi1>, vector<16xf32>
        %select_n3A_372 = arith.select %gt3A_367, %select_n3A_358, %select_n3A_371 : vector<16xi1>, vector<16xf32>
        %select_n3A_373 = arith.select %gt3A_367, %broadcast_in_dim3A_360, %select_n3A_357 : vector<16xi1>, vector<16xi32>
        %select_n3A_374 = arith.select %gt3A_367, %get3A_366, %select_n3A_358 : vector<16xi1>, vector<16xf32>
        %broadcast_in_dim3A_375 = arith.constant -1.000000e+00 : f32
        %broadcast_in_dim3A_376 = vector.broadcast %broadcast_in_dim3A_375 : f32 to vector<16xf32>
        %broadcast_in_dim3A_377 = arith.constant -1.000000e+00 : f32
        %broadcast_in_dim3A_378 = vector.broadcast %broadcast_in_dim3A_377 : f32 to vector<16xf32>
        %broadcast_in_dim3A_379 = arith.constant 16 : i32
        %broadcast_in_dim3A_380 = vector.broadcast %broadcast_in_dim3A_379 : i32 to vector<16xi32>
        %mul3A_381 = arith.constant 16 : i32
        %mul3A_382 = arith.muli %scan3A_107, %mul3A_381 : i32
        %get3A_383 = arith.constant 16 : i32
        %get3A_384 = arith.index_cast %get3A_383 : i32 to index
        %get3A_385 = arith.index_cast %mul3A_382 : i32 to index
        %get3A_386 = tpu.vector_load %arg6[%get3A_384, %get3A_385] {strides = array<i32>} : memref<64x256xf32, #tpu.memory_space<vmem>>, vector<16xf32>,
        %gt3A_387 = arith.cmpf ogt, %get3A_386, %broadcast_in_dim3A_376 : vector<16xf32>
        %gt3A_388 = arith.cmpf ogt, %get3A_386, %broadcast_in_dim3A_378 : vector<16xf32>
        %select_n3A_389 = arith.select %gt3A_388, %broadcast_in_dim3A_380, %broadcast_in_dim3A_33 : vector<16xi1>, vector<16xi32>
        %select_n3A_390 = arith.select %gt3A_387, %broadcast_in_dim3A_33, %select_n3A_389 : vector<16xi1>, vector<16xi32>
        %select_n3A_391 = arith.select %gt3A_388, %get3A_386, %broadcast_in_dim3A_378 : vector<16xi1>, vector<16xf32>
        %select_n3A_392 = arith.select %gt3A_387, %broadcast_in_dim3A_376, %select_n3A_391 : vector<16xi1>, vector<16xf32>
        %select_n3A_393 = arith.select %gt3A_387, %broadcast_in_dim3A_380, %broadcast_in_dim3A_33 : vector<16xi1>, vector<16xi32>
        %select_n3A_394 = arith.select %gt3A_387, %get3A_386, %broadcast_in_dim3A_376 : vector<16xi1>, vector<16xf32>
        %broadcast_in_dim3A_395 = arith.constant 17 : i32
        %broadcast_in_dim3A_396 = vector.broadcast %broadcast_in_dim3A_395 : i32 to vector<16xi32>
        %mul3A_397 = arith.constant 16 : i32
        %mul3A_398 = arith.muli %scan3A_107, %mul3A_397 : i32
        %get3A_399 = arith.constant 17 : i32
        %get3A_400 = arith.index_cast %get3A_399 : i32 to index
        %get3A_401 = arith.index_cast %mul3A_398 : i32 to index
        %get3A_402 = tpu.vector_load %arg6[%get3A_400, %get3A_401] {strides = array<i32>} : memref<64x256xf32, #tpu.memory_space<vmem>>, vector<16xf32>,
        %gt3A_403 = arith.cmpf ogt, %get3A_402, %select_n3A_394 : vector<16xf32>
        %gt3A_404 = arith.cmpf ogt, %get3A_402, %select_n3A_392 : vector<16xf32>
        %select_n3A_405 = arith.select %gt3A_404, %broadcast_in_dim3A_396, %select_n3A_390 : vector<16xi1>, vector<16xi32>
        %select_n3A_406 = arith.select %gt3A_403, %select_n3A_393, %select_n3A_405 : vector<16xi1>, vector<16xi32>
        %select_n3A_407 = arith.select %gt3A_404, %get3A_402, %select_n3A_392 : vector<16xi1>, vector<16xf32>
        %select_n3A_408 = arith.select %gt3A_403, %select_n3A_394, %select_n3A_407 : vector<16xi1>, vector<16xf32>
        %select_n3A_409 = arith.select %gt3A_403, %broadcast_in_dim3A_396, %select_n3A_393 : vector<16xi1>, vector<16xi32>
        %select_n3A_410 = arith.select %gt3A_403, %get3A_402, %select_n3A_394 : vector<16xi1>, vector<16xf32>
        %broadcast_in_dim3A_411 = arith.constant 18 : i32
        %broadcast_in_dim3A_412 = vector.broadcast %broadcast_in_dim3A_411 : i32 to vector<16xi32>
        %mul3A_413 = arith.constant 16 : i32
        %mul3A_414 = arith.muli %scan3A_107, %mul3A_413 : i32
        %get3A_415 = arith.constant 18 : i32
        %get3A_416 = arith.index_cast %get3A_415 : i32 to index
        %get3A_417 = arith.index_cast %mul3A_414 : i32 to index
        %get3A_418 = tpu.vector_load %arg6[%get3A_416, %get3A_417] {strides = array<i32>} : memref<64x256xf32, #tpu.memory_space<vmem>>, vector<16xf32>,
        %gt3A_419 = arith.cmpf ogt, %get3A_418, %select_n3A_410 : vector<16xf32>
        %gt3A_420 = arith.cmpf ogt, %get3A_418, %select_n3A_408 : vector<16xf32>
        %select_n3A_421 = arith.select %gt3A_420, %broadcast_in_dim3A_412, %select_n3A_406 : vector<16xi1>, vector<16xi32>
        %select_n3A_422 = arith.select %gt3A_419, %select_n3A_409, %select_n3A_421 : vector<16xi1>, vector<16xi32>
        %select_n3A_423 = arith.select %gt3A_420, %get3A_418, %select_n3A_408 : vector<16xi1>, vector<16xf32>
        %select_n3A_424 = arith.select %gt3A_419, %select_n3A_410, %select_n3A_423 : vector<16xi1>, vector<16xf32>
        %select_n3A_425 = arith.select %gt3A_419, %broadcast_in_dim3A_412, %select_n3A_409 : vector<16xi1>, vector<16xi32>
        %select_n3A_426 = arith.select %gt3A_419, %get3A_418, %select_n3A_410 : vector<16xi1>, vector<16xf32>
        %broadcast_in_dim3A_427 = arith.constant 19 : i32
        %broadcast_in_dim3A_428 = vector.broadcast %broadcast_in_dim3A_427 : i32 to vector<16xi32>
        %mul3A_429 = arith.constant 16 : i32
        %mul3A_430 = arith.muli %scan3A_107, %mul3A_429 : i32
        %get3A_431 = arith.constant 19 : i32
        %get3A_432 = arith.index_cast %get3A_431 : i32 to index
        %get3A_433 = arith.index_cast %mul3A_430 : i32 to index
        %get3A_434 = tpu.vector_load %arg6[%get3A_432, %get3A_433] {strides = array<i32>} : memref<64x256xf32, #tpu.memory_space<vmem>>, vector<16xf32>,
        %gt3A_435 = arith.cmpf ogt, %get3A_434, %select_n3A_426 : vector<16xf32>
        %gt3A_436 = arith.cmpf ogt, %get3A_434, %select_n3A_424 : vector<16xf32>
        %select_n3A_437 = arith.select %gt3A_436, %broadcast_in_dim3A_428, %select_n3A_422 : vector<16xi1>, vector<16xi32>
        %select_n3A_438 = arith.select %gt3A_435, %select_n3A_425, %select_n3A_437 : vector<16xi1>, vector<16xi32>
        %select_n3A_439 = arith.select %gt3A_436, %get3A_434, %select_n3A_424 : vector<16xi1>, vector<16xf32>
        %select_n3A_440 = arith.select %gt3A_435, %select_n3A_426, %select_n3A_439 : vector<16xi1>, vector<16xf32>
        %select_n3A_441 = arith.select %gt3A_435, %broadcast_in_dim3A_428, %select_n3A_425 : vector<16xi1>, vector<16xi32>
        %select_n3A_442 = arith.select %gt3A_435, %get3A_434, %select_n3A_426 : vector<16xi1>, vector<16xf32>
        %broadcast_in_dim3A_443 = arith.constant 20 : i32
        %broadcast_in_dim3A_444 = vector.broadcast %broadcast_in_dim3A_443 : i32 to vector<16xi32>
        %mul3A_445 = arith.constant 16 : i32
        %mul3A_446 = arith.muli %scan3A_107, %mul3A_445 : i32
        %get3A_447 = arith.constant 20 : i32
        %get3A_448 = arith.index_cast %get3A_447 : i32 to index
        %get3A_449 = arith.index_cast %mul3A_446 : i32 to index
        %get3A_450 = tpu.vector_load %arg6[%get3A_448, %get3A_449] {strides = array<i32>} : memref<64x256xf32, #tpu.memory_space<vmem>>, vector<16xf32>,
        %gt3A_451 = arith.cmpf ogt, %get3A_450, %select_n3A_442 : vector<16xf32>
        %gt3A_452 = arith.cmpf ogt, %get3A_450, %select_n3A_440 : vector<16xf32>
        %select_n3A_453 = arith.select %gt3A_452, %broadcast_in_dim3A_444, %select_n3A_438 : vector<16xi1>, vector<16xi32>
        %select_n3A_454 = arith.select %gt3A_451, %select_n3A_441, %select_n3A_453 : vector<16xi1>, vector<16xi32>
        %select_n3A_455 = arith.select %gt3A_452, %get3A_450, %select_n3A_440 : vector<16xi1>, vector<16xf32>
        %select_n3A_456 = arith.select %gt3A_451, %select_n3A_442, %select_n3A_455 : vector<16xi1>, vector<16xf32>
        %select_n3A_457 = arith.select %gt3A_451, %broadcast_in_dim3A_444, %select_n3A_441 : vector<16xi1>, vector<16xi32>
        %select_n3A_458 = arith.select %gt3A_451, %get3A_450, %select_n3A_442 : vector<16xi1>, vector<16xf32>
        %broadcast_in_dim3A_459 = arith.constant 21 : i32
        %broadcast_in_dim3A_460 = vector.broadcast %broadcast_in_dim3A_459 : i32 to vector<16xi32>
        %mul3A_461 = arith.constant 16 : i32
        %mul3A_462 = arith.muli %scan3A_107, %mul3A_461 : i32
        %get3A_463 = arith.constant 21 : i32
        %get3A_464 = arith.index_cast %get3A_463 : i32 to index
        %get3A_465 = arith.index_cast %mul3A_462 : i32 to index
        %get3A_466 = tpu.vector_load %arg6[%get3A_464, %get3A_465] {strides = array<i32>} : memref<64x256xf32, #tpu.memory_space<vmem>>, vector<16xf32>,
        %gt3A_467 = arith.cmpf ogt, %get3A_466, %select_n3A_458 : vector<16xf32>
        %gt3A_468 = arith.cmpf ogt, %get3A_466, %select_n3A_456 : vector<16xf32>
        %select_n3A_469 = arith.select %gt3A_468, %broadcast_in_dim3A_460, %select_n3A_454 : vector<16xi1>, vector<16xi32>
        %select_n3A_470 = arith.select %gt3A_467, %select_n3A_457, %select_n3A_469 : vector<16xi1>, vector<16xi32>
        %select_n3A_471 = arith.select %gt3A_468, %get3A_466, %select_n3A_456 : vector<16xi1>, vector<16xf32>
        %select_n3A_472 = arith.select %gt3A_467, %select_n3A_458, %select_n3A_471 : vector<16xi1>, vector<16xf32>
        %select_n3A_473 = arith.select %gt3A_467, %broadcast_in_dim3A_460, %select_n3A_457 : vector<16xi1>, vector<16xi32>
        %select_n3A_474 = arith.select %gt3A_467, %get3A_466, %select_n3A_458 : vector<16xi1>, vector<16xf32>
        %broadcast_in_dim3A_475 = arith.constant 22 : i32
        %broadcast_in_dim3A_476 = vector.broadcast %broadcast_in_dim3A_475 : i32 to vector<16xi32>
        %mul3A_477 = arith.constant 16 : i32
        %mul3A_478 = arith.muli %scan3A_107, %mul3A_477 : i32
        %get3A_479 = arith.constant 22 : i32
        %get3A_480 = arith.index_cast %get3A_479 : i32 to index
        %get3A_481 = arith.index_cast %mul3A_478 : i32 to index
        %get3A_482 = tpu.vector_load %arg6[%get3A_480, %get3A_481] {strides = array<i32>} : memref<64x256xf32, #tpu.memory_space<vmem>>, vector<16xf32>,
        %gt3A_483 = arith.cmpf ogt, %get3A_482, %select_n3A_474 : vector<16xf32>
        %gt3A_484 = arith.cmpf ogt, %get3A_482, %select_n3A_472 : vector<16xf32>
        %select_n3A_485 = arith.select %gt3A_484, %broadcast_in_dim3A_476, %select_n3A_470 : vector<16xi1>, vector<16xi32>
        %select_n3A_486 = arith.select %gt3A_483, %select_n3A_473, %select_n3A_485 : vector<16xi1>, vector<16xi32>
        %select_n3A_487 = arith.select %gt3A_484, %get3A_482, %select_n3A_472 : vector<16xi1>, vector<16xf32>
        %select_n3A_488 = arith.select %gt3A_483, %select_n3A_474, %select_n3A_487 : vector<16xi1>, vector<16xf32>
        %select_n3A_489 = arith.select %gt3A_483, %broadcast_in_dim3A_476, %select_n3A_473 : vector<16xi1>, vector<16xi32>
        %select_n3A_490 = arith.select %gt3A_483, %get3A_482, %select_n3A_474 : vector<16xi1>, vector<16xf32>
        %broadcast_in_dim3A_491 = arith.constant 23 : i32
        %broadcast_in_dim3A_492 = vector.broadcast %broadcast_in_dim3A_491 : i32 to vector<16xi32>
        %mul3A_493 = arith.constant 16 : i32
        %mul3A_494 = arith.muli %scan3A_107, %mul3A_493 : i32
        %get3A_495 = arith.constant 23 : i32
        %get3A_496 = arith.index_cast %get3A_495 : i32 to index
        %get3A_497 = arith.index_cast %mul3A_494 : i32 to index
        %get3A_498 = tpu.vector_load %arg6[%get3A_496, %get3A_497] {strides = array<i32>} : memref<64x256xf32, #tpu.memory_space<vmem>>, vector<16xf32>,
        %gt3A_499 = arith.cmpf ogt, %get3A_498, %select_n3A_490 : vector<16xf32>
        %gt3A_500 = arith.cmpf ogt, %get3A_498, %select_n3A_488 : vector<16xf32>
        %select_n3A_501 = arith.select %gt3A_500, %broadcast_in_dim3A_492, %select_n3A_486 : vector<16xi1>, vector<16xi32>
        %select_n3A_502 = arith.select %gt3A_499, %select_n3A_489, %select_n3A_501 : vector<16xi1>, vector<16xi32>
        %select_n3A_503 = arith.select %gt3A_500, %get3A_498, %select_n3A_488 : vector<16xi1>, vector<16xf32>
        %select_n3A_504 = arith.select %gt3A_499, %select_n3A_490, %select_n3A_503 : vector<16xi1>, vector<16xf32>
        %select_n3A_505 = arith.select %gt3A_499, %broadcast_in_dim3A_492, %select_n3A_489 : vector<16xi1>, vector<16xi32>
        %select_n3A_506 = arith.select %gt3A_499, %get3A_498, %select_n3A_490 : vector<16xi1>, vector<16xf32>
        %broadcast_in_dim3A_507 = arith.constant -1.000000e+00 : f32
        %broadcast_in_dim3A_508 = vector.broadcast %broadcast_in_dim3A_507 : f32 to vector<16xf32>
        %broadcast_in_dim3A_509 = arith.constant -1.000000e+00 : f32
        %broadcast_in_dim3A_510 = vector.broadcast %broadcast_in_dim3A_509 : f32 to vector<16xf32>
        %broadcast_in_dim3A_511 = arith.constant 24 : i32
        %broadcast_in_dim3A_512 = vector.broadcast %broadcast_in_dim3A_511 : i32 to vector<16xi32>
        %mul3A_513 = arith.constant 16 : i32
        %mul3A_514 = arith.muli %scan3A_107, %mul3A_513 : i32
        %get3A_515 = arith.constant 24 : i32
        %get3A_516 = arith.index_cast %get3A_515 : i32 to index
        %get3A_517 = arith.index_cast %mul3A_514 : i32 to index
        %get3A_518 = tpu.vector_load %arg6[%get3A_516, %get3A_517] {strides = array<i32>} : memref<64x256xf32, #tpu.memory_space<vmem>>, vector<16xf32>,
        %gt3A_519 = arith.cmpf ogt, %get3A_518, %broadcast_in_dim3A_508 : vector<16xf32>
        %gt3A_520 = arith.cmpf ogt, %get3A_518, %broadcast_in_dim3A_510 : vector<16xf32>
        %select_n3A_521 = arith.select %gt3A_520, %broadcast_in_dim3A_512, %broadcast_in_dim3A_33 : vector<16xi1>, vector<16xi32>
        %select_n3A_522 = arith.select %gt3A_519, %broadcast_in_dim3A_33, %select_n3A_521 : vector<16xi1>, vector<16xi32>
        %select_n3A_523 = arith.select %gt3A_520, %get3A_518, %broadcast_in_dim3A_510 : vector<16xi1>, vector<16xf32>
        %select_n3A_524 = arith.select %gt3A_519, %broadcast_in_dim3A_508, %select_n3A_523 : vector<16xi1>, vector<16xf32>
        %select_n3A_525 = arith.select %gt3A_519, %broadcast_in_dim3A_512, %broadcast_in_dim3A_33 : vector<16xi1>, vector<16xi32>
        %select_n3A_526 = arith.select %gt3A_519, %get3A_518, %broadcast_in_dim3A_508 : vector<16xi1>, vector<16xf32>
        %broadcast_in_dim3A_527 = arith.constant 25 : i32
        %broadcast_in_dim3A_528 = vector.broadcast %broadcast_in_dim3A_527 : i32 to vector<16xi32>
        %mul3A_529 = arith.constant 16 : i32
        %mul3A_530 = arith.muli %scan3A_107, %mul3A_529 : i32
        %get3A_531 = arith.constant 25 : i32
        %get3A_532 = arith.index_cast %get3A_531 : i32 to index
        %get3A_533 = arith.index_cast %mul3A_530 : i32 to index
        %get3A_534 = tpu.vector_load %arg6[%get3A_532, %get3A_533] {strides = array<i32>} : memref<64x256xf32, #tpu.memory_space<vmem>>, vector<16xf32>,
        %gt3A_535 = arith.cmpf ogt, %get3A_534, %select_n3A_526 : vector<16xf32>
        %gt3A_536 = arith.cmpf ogt, %get3A_534, %select_n3A_524 : vector<16xf32>
        %select_n3A_537 = arith.select %gt3A_536, %broadcast_in_dim3A_528, %select_n3A_522 : vector<16xi1>, vector<16xi32>
        %select_n3A_538 = arith.select %gt3A_535, %select_n3A_525, %select_n3A_537 : vector<16xi1>, vector<16xi32>
        %select_n3A_539 = arith.select %gt3A_536, %get3A_534, %select_n3A_524 : vector<16xi1>, vector<16xf32>
        %select_n3A_540 = arith.select %gt3A_535, %select_n3A_526, %select_n3A_539 : vector<16xi1>, vector<16xf32>
        %select_n3A_541 = arith.select %gt3A_535, %broadcast_in_dim3A_528, %select_n3A_525 : vector<16xi1>, vector<16xi32>
        %select_n3A_542 = arith.select %gt3A_535, %get3A_534, %select_n3A_526 : vector<16xi1>, vector<16xf32>
        %broadcast_in_dim3A_543 = arith.constant 26 : i32
        %broadcast_in_dim3A_544 = vector.broadcast %broadcast_in_dim3A_543 : i32 to vector<16xi32>
        %mul3A_545 = arith.constant 16 : i32
        %mul3A_546 = arith.muli %scan3A_107, %mul3A_545 : i32
        %get3A_547 = arith.constant 26 : i32
        %get3A_548 = arith.index_cast %get3A_547 : i32 to index
        %get3A_549 = arith.index_cast %mul3A_546 : i32 to index
        %get3A_550 = tpu.vector_load %arg6[%get3A_548, %get3A_549] {strides = array<i32>} : memref<64x256xf32, #tpu.memory_space<vmem>>, vector<16xf32>,
        %gt3A_551 = arith.cmpf ogt, %get3A_550, %select_n3A_542 : vector<16xf32>
        %gt3A_552 = arith.cmpf ogt, %get3A_550, %select_n3A_540 : vector<16xf32>
        %select_n3A_553 = arith.select %gt3A_552, %broadcast_in_dim3A_544, %select_n3A_538 : vector<16xi1>, vector<16xi32>
        %select_n3A_554 = arith.select %gt3A_551, %select_n3A_541, %select_n3A_553 : vector<16xi1>, vector<16xi32>
        %select_n3A_555 = arith.select %gt3A_552, %get3A_550, %select_n3A_540 : vector<16xi1>, vector<16xf32>
        %select_n3A_556 = arith.select %gt3A_551, %select_n3A_542, %select_n3A_555 : vector<16xi1>, vector<16xf32>
        %select_n3A_557 = arith.select %gt3A_551, %broadcast_in_dim3A_544, %select_n3A_541 : vector<16xi1>, vector<16xi32>
        %select_n3A_558 = arith.select %gt3A_551, %get3A_550, %select_n3A_542 : vector<16xi1>, vector<16xf32>
        %broadcast_in_dim3A_559 = arith.constant 27 : i32
        %broadcast_in_dim3A_560 = vector.broadcast %broadcast_in_dim3A_559 : i32 to vector<16xi32>
        %mul3A_561 = arith.constant 16 : i32
        %mul3A_562 = arith.muli %scan3A_107, %mul3A_561 : i32
        %get3A_563 = arith.constant 27 : i32
        %get3A_564 = arith.index_cast %get3A_563 : i32 to index
        %get3A_565 = arith.index_cast %mul3A_562 : i32 to index
        %get3A_566 = tpu.vector_load %arg6[%get3A_564, %get3A_565] {strides = array<i32>} : memref<64x256xf32, #tpu.memory_space<vmem>>, vector<16xf32>,
        %gt3A_567 = arith.cmpf ogt, %get3A_566, %select_n3A_558 : vector<16xf32>
        %gt3A_568 = arith.cmpf ogt, %get3A_566, %select_n3A_556 : vector<16xf32>
        %select_n3A_569 = arith.select %gt3A_568, %broadcast_in_dim3A_560, %select_n3A_554 : vector<16xi1>, vector<16xi32>
        %select_n3A_570 = arith.select %gt3A_567, %select_n3A_557, %select_n3A_569 : vector<16xi1>, vector<16xi32>
        %select_n3A_571 = arith.select %gt3A_568, %get3A_566, %select_n3A_556 : vector<16xi1>, vector<16xf32>
        %select_n3A_572 = arith.select %gt3A_567, %select_n3A_558, %select_n3A_571 : vector<16xi1>, vector<16xf32>
        %select_n3A_573 = arith.select %gt3A_567, %broadcast_in_dim3A_560, %select_n3A_557 : vector<16xi1>, vector<16xi32>
        %select_n3A_574 = arith.select %gt3A_567, %get3A_566, %select_n3A_558 : vector<16xi1>, vector<16xf32>
        %broadcast_in_dim3A_575 = arith.constant 28 : i32
        %broadcast_in_dim3A_576 = vector.broadcast %broadcast_in_dim3A_575 : i32 to vector<16xi32>
        %mul3A_577 = arith.constant 16 : i32
        %mul3A_578 = arith.muli %scan3A_107, %mul3A_577 : i32
        %get3A_579 = arith.constant 28 : i32
        %get3A_580 = arith.index_cast %get3A_579 : i32 to index
        %get3A_581 = arith.index_cast %mul3A_578 : i32 to index
        %get3A_582 = tpu.vector_load %arg6[%get3A_580, %get3A_581] {strides = array<i32>} : memref<64x256xf32, #tpu.memory_space<vmem>>, vector<16xf32>,
        %gt3A_583 = arith.cmpf ogt, %get3A_582, %select_n3A_574 : vector<16xf32>
        %gt3A_584 = arith.cmpf ogt, %get3A_582, %select_n3A_572 : vector<16xf32>
        %select_n3A_585 = arith.select %gt3A_584, %broadcast_in_dim3A_576, %select_n3A_570 : vector<16xi1>, vector<16xi32>
        %select_n3A_586 = arith.select %gt3A_583, %select_n3A_573, %select_n3A_585 : vector<16xi1>, vector<16xi32>
        %select_n3A_587 = arith.select %gt3A_584, %get3A_582, %select_n3A_572 : vector<16xi1>, vector<16xf32>
        %select_n3A_588 = arith.select %gt3A_583, %select_n3A_574, %select_n3A_587 : vector<16xi1>, vector<16xf32>
        %select_n3A_589 = arith.select %gt3A_583, %broadcast_in_dim3A_576, %select_n3A_573 : vector<16xi1>, vector<16xi32>
        %select_n3A_590 = arith.select %gt3A_583, %get3A_582, %select_n3A_574 : vector<16xi1>, vector<16xf32>
        %broadcast_in_dim3A_591 = arith.constant 29 : i32
        %broadcast_in_dim3A_592 = vector.broadcast %broadcast_in_dim3A_591 : i32 to vector<16xi32>
        %mul3A_593 = arith.constant 16 : i32
        %mul3A_594 = arith.muli %scan3A_107, %mul3A_593 : i32
        %get3A_595 = arith.constant 29 : i32
        %get3A_596 = arith.index_cast %get3A_595 : i32 to index
        %get3A_597 = arith.index_cast %mul3A_594 : i32 to index
        %get3A_598 = tpu.vector_load %arg6[%get3A_596, %get3A_597] {strides = array<i32>} : memref<64x256xf32, #tpu.memory_space<vmem>>, vector<16xf32>,
        %gt3A_599 = arith.cmpf ogt, %get3A_598, %select_n3A_590 : vector<16xf32>
        %gt3A_600 = arith.cmpf ogt, %get3A_598, %select_n3A_588 : vector<16xf32>
        %select_n3A_601 = arith.select %gt3A_600, %broadcast_in_dim3A_592, %select_n3A_586 : vector<16xi1>, vector<16xi32>
        %select_n3A_602 = arith.select %gt3A_599, %select_n3A_589, %select_n3A_601 : vector<16xi1>, vector<16xi32>
        %select_n3A_603 = arith.select %gt3A_600, %get3A_598, %select_n3A_588 : vector<16xi1>, vector<16xf32>
        %select_n3A_604 = arith.select %gt3A_599, %select_n3A_590, %select_n3A_603 : vector<16xi1>, vector<16xf32>
        %select_n3A_605 = arith.select %gt3A_599, %broadcast_in_dim3A_592, %select_n3A_589 : vector<16xi1>, vector<16xi32>
        %select_n3A_606 = arith.select %gt3A_599, %get3A_598, %select_n3A_590 : vector<16xi1>, vector<16xf32>
        %broadcast_in_dim3A_607 = arith.constant 30 : i32
        %broadcast_in_dim3A_608 = vector.broadcast %broadcast_in_dim3A_607 : i32 to vector<16xi32>
        %mul3A_609 = arith.constant 16 : i32
        %mul3A_610 = arith.muli %scan3A_107, %mul3A_609 : i32
        %get3A_611 = arith.constant 30 : i32
        %get3A_612 = arith.index_cast %get3A_611 : i32 to index
        %get3A_613 = arith.index_cast %mul3A_610 : i32 to index
        %get3A_614 = tpu.vector_load %arg6[%get3A_612, %get3A_613] {strides = array<i32>} : memref<64x256xf32, #tpu.memory_space<vmem>>, vector<16xf32>,
        %gt3A_615 = arith.cmpf ogt, %get3A_614, %select_n3A_606 : vector<16xf32>
        %gt3A_616 = arith.cmpf ogt, %get3A_614, %select_n3A_604 : vector<16xf32>
        %select_n3A_617 = arith.select %gt3A_616, %broadcast_in_dim3A_608, %select_n3A_602 : vector<16xi1>, vector<16xi32>
        %select_n3A_618 = arith.select %gt3A_615, %select_n3A_605, %select_n3A_617 : vector<16xi1>, vector<16xi32>
        %select_n3A_619 = arith.select %gt3A_616, %get3A_614, %select_n3A_604 : vector<16xi1>, vector<16xf32>
        %select_n3A_620 = arith.select %gt3A_615, %select_n3A_606, %select_n3A_619 : vector<16xi1>, vector<16xf32>
        %select_n3A_621 = arith.select %gt3A_615, %broadcast_in_dim3A_608, %select_n3A_605 : vector<16xi1>, vector<16xi32>
        %select_n3A_622 = arith.select %gt3A_615, %get3A_614, %select_n3A_606 : vector<16xi1>, vector<16xf32>
        %broadcast_in_dim3A_623 = arith.constant 31 : i32
        %broadcast_in_dim3A_624 = vector.broadcast %broadcast_in_dim3A_623 : i32 to vector<16xi32>
        %mul3A_625 = arith.constant 16 : i32
        %mul3A_626 = arith.muli %scan3A_107, %mul3A_625 : i32
        %get3A_627 = arith.constant 31 : i32
        %get3A_628 = arith.index_cast %get3A_627 : i32 to index
        %get3A_629 = arith.index_cast %mul3A_626 : i32 to index
        %get3A_630 = tpu.vector_load %arg6[%get3A_628, %get3A_629] {strides = array<i32>} : memref<64x256xf32, #tpu.memory_space<vmem>>, vector<16xf32>,
        %gt3A_631 = arith.cmpf ogt, %get3A_630, %select_n3A_622 : vector<16xf32>
        %gt3A_632 = arith.cmpf ogt, %get3A_630, %select_n3A_620 : vector<16xf32>
        %select_n3A_633 = arith.select %gt3A_632, %broadcast_in_dim3A_624, %select_n3A_618 : vector<16xi1>, vector<16xi32>
        %select_n3A_634 = arith.select %gt3A_631, %select_n3A_621, %select_n3A_633 : vector<16xi1>, vector<16xi32>
        %select_n3A_635 = arith.select %gt3A_632, %get3A_630, %select_n3A_620 : vector<16xi1>, vector<16xf32>
        %select_n3A_636 = arith.select %gt3A_631, %select_n3A_622, %select_n3A_635 : vector<16xi1>, vector<16xf32>
        %select_n3A_637 = arith.select %gt3A_631, %broadcast_in_dim3A_624, %select_n3A_621 : vector<16xi1>, vector<16xi32>
        %select_n3A_638 = arith.select %gt3A_631, %get3A_630, %select_n3A_622 : vector<16xi1>, vector<16xf32>
        %broadcast_in_dim3A_639 = arith.constant -1.000000e+00 : f32
        %broadcast_in_dim3A_640 = vector.broadcast %broadcast_in_dim3A_639 : f32 to vector<16xf32>
        %broadcast_in_dim3A_641 = arith.constant -1.000000e+00 : f32
        %broadcast_in_dim3A_642 = vector.broadcast %broadcast_in_dim3A_641 : f32 to vector<16xf32>
        %broadcast_in_dim3A_643 = arith.constant 32 : i32
        %broadcast_in_dim3A_644 = vector.broadcast %broadcast_in_dim3A_643 : i32 to vector<16xi32>
        %mul3A_645 = arith.constant 16 : i32
        %mul3A_646 = arith.muli %scan3A_107, %mul3A_645 : i32
        %get3A_647 = arith.constant 32 : i32
        %get3A_648 = arith.index_cast %get3A_647 : i32 to index
        %get3A_649 = arith.index_cast %mul3A_646 : i32 to index
        %get3A_650 = tpu.vector_load %arg6[%get3A_648, %get3A_649] {strides = array<i32>} : memref<64x256xf32, #tpu.memory_space<vmem>>, vector<16xf32>,
        %gt3A_651 = arith.cmpf ogt, %get3A_650, %broadcast_in_dim3A_640 : vector<16xf32>
        %gt3A_652 = arith.cmpf ogt, %get3A_650, %broadcast_in_dim3A_642 : vector<16xf32>
        %select_n3A_653 = arith.select %gt3A_652, %broadcast_in_dim3A_644, %broadcast_in_dim3A_33 : vector<16xi1>, vector<16xi32>
        %select_n3A_654 = arith.select %gt3A_651, %broadcast_in_dim3A_33, %select_n3A_653 : vector<16xi1>, vector<16xi32>
        %select_n3A_655 = arith.select %gt3A_652, %get3A_650, %broadcast_in_dim3A_642 : vector<16xi1>, vector<16xf32>
        %select_n3A_656 = arith.select %gt3A_651, %broadcast_in_dim3A_640, %select_n3A_655 : vector<16xi1>, vector<16xf32>
        %select_n3A_657 = arith.select %gt3A_651, %broadcast_in_dim3A_644, %broadcast_in_dim3A_33 : vector<16xi1>, vector<16xi32>
        %select_n3A_658 = arith.select %gt3A_651, %get3A_650, %broadcast_in_dim3A_640 : vector<16xi1>, vector<16xf32>
        %broadcast_in_dim3A_659 = arith.constant 33 : i32
        %broadcast_in_dim3A_660 = vector.broadcast %broadcast_in_dim3A_659 : i32 to vector<16xi32>
        %mul3A_661 = arith.constant 16 : i32
        %mul3A_662 = arith.muli %scan3A_107, %mul3A_661 : i32
        %get3A_663 = arith.constant 33 : i32
        %get3A_664 = arith.index_cast %get3A_663 : i32 to index
        %get3A_665 = arith.index_cast %mul3A_662 : i32 to index
        %get3A_666 = tpu.vector_load %arg6[%get3A_664, %get3A_665] {strides = array<i32>} : memref<64x256xf32, #tpu.memory_space<vmem>>, vector<16xf32>,
        %gt3A_667 = arith.cmpf ogt, %get3A_666, %select_n3A_658 : vector<16xf32>
        %gt3A_668 = arith.cmpf ogt, %get3A_666, %select_n3A_656 : vector<16xf32>
        %select_n3A_669 = arith.select %gt3A_668, %broadcast_in_dim3A_660, %select_n3A_654 : vector<16xi1>, vector<16xi32>
        %select_n3A_670 = arith.select %gt3A_667, %select_n3A_657, %select_n3A_669 : vector<16xi1>, vector<16xi32>
        %select_n3A_671 = arith.select %gt3A_668, %get3A_666, %select_n3A_656 : vector<16xi1>, vector<16xf32>
        %select_n3A_672 = arith.select %gt3A_667, %select_n3A_658, %select_n3A_671 : vector<16xi1>, vector<16xf32>
        %select_n3A_673 = arith.select %gt3A_667, %broadcast_in_dim3A_660, %select_n3A_657 : vector<16xi1>, vector<16xi32>
        %select_n3A_674 = arith.select %gt3A_667, %get3A_666, %select_n3A_658 : vector<16xi1>, vector<16xf32>
        %broadcast_in_dim3A_675 = arith.constant 34 : i32
        %broadcast_in_dim3A_676 = vector.broadcast %broadcast_in_dim3A_675 : i32 to vector<16xi32>
        %mul3A_677 = arith.constant 16 : i32
        %mul3A_678 = arith.muli %scan3A_107, %mul3A_677 : i32
        %get3A_679 = arith.constant 34 : i32
        %get3A_680 = arith.index_cast %get3A_679 : i32 to index
        %get3A_681 = arith.index_cast %mul3A_678 : i32 to index
        %get3A_682 = tpu.vector_load %arg6[%get3A_680, %get3A_681] {strides = array<i32>} : memref<64x256xf32, #tpu.memory_space<vmem>>, vector<16xf32>,
        %gt3A_683 = arith.cmpf ogt, %get3A_682, %select_n3A_674 : vector<16xf32>
        %gt3A_684 = arith.cmpf ogt, %get3A_682, %select_n3A_672 : vector<16xf32>
        %select_n3A_685 = arith.select %gt3A_684, %broadcast_in_dim3A_676, %select_n3A_670 : vector<16xi1>, vector<16xi32>
        %select_n3A_686 = arith.select %gt3A_683, %select_n3A_673, %select_n3A_685 : vector<16xi1>, vector<16xi32>
        %select_n3A_687 = arith.select %gt3A_684, %get3A_682, %select_n3A_672 : vector<16xi1>, vector<16xf32>
        %select_n3A_688 = arith.select %gt3A_683, %select_n3A_674, %select_n3A_687 : vector<16xi1>, vector<16xf32>
        %select_n3A_689 = arith.select %gt3A_683, %broadcast_in_dim3A_676, %select_n3A_673 : vector<16xi1>, vector<16xi32>
        %select_n3A_690 = arith.select %gt3A_683, %get3A_682, %select_n3A_674 : vector<16xi1>, vector<16xf32>
        %broadcast_in_dim3A_691 = arith.constant 35 : i32
        %broadcast_in_dim3A_692 = vector.broadcast %broadcast_in_dim3A_691 : i32 to vector<16xi32>
        %mul3A_693 = arith.constant 16 : i32
        %mul3A_694 = arith.muli %scan3A_107, %mul3A_693 : i32
        %get3A_695 = arith.constant 35 : i32
        %get3A_696 = arith.index_cast %get3A_695 : i32 to index
        %get3A_697 = arith.index_cast %mul3A_694 : i32 to index
        %get3A_698 = tpu.vector_load %arg6[%get3A_696, %get3A_697] {strides = array<i32>} : memref<64x256xf32, #tpu.memory_space<vmem>>, vector<16xf32>,
        %gt3A_699 = arith.cmpf ogt, %get3A_698, %select_n3A_690 : vector<16xf32>
        %gt3A_700 = arith.cmpf ogt, %get3A_698, %select_n3A_688 : vector<16xf32>
        %select_n3A_701 = arith.select %gt3A_700, %broadcast_in_dim3A_692, %select_n3A_686 : vector<16xi1>, vector<16xi32>
        %select_n3A_702 = arith.select %gt3A_699, %select_n3A_689, %select_n3A_701 : vector<16xi1>, vector<16xi32>
        %select_n3A_703 = arith.select %gt3A_700, %get3A_698, %select_n3A_688 : vector<16xi1>, vector<16xf32>
        %select_n3A_704 = arith.select %gt3A_699, %select_n3A_690, %select_n3A_703 : vector<16xi1>, vector<16xf32>
        %select_n3A_705 = arith.select %gt3A_699, %broadcast_in_dim3A_692, %select_n3A_689 : vector<16xi1>, vector<16xi32>
        %select_n3A_706 = arith.select %gt3A_699, %get3A_698, %select_n3A_690 : vector<16xi1>, vector<16xf32>
        %broadcast_in_dim3A_707 = arith.constant 36 : i32
        %broadcast_in_dim3A_708 = vector.broadcast %broadcast_in_dim3A_707 : i32 to vector<16xi32>
        %mul3A_709 = arith.constant 16 : i32
        %mul3A_710 = arith.muli %scan3A_107, %mul3A_709 : i32
        %get3A_711 = arith.constant 36 : i32
        %get3A_712 = arith.index_cast %get3A_711 : i32 to index
        %get3A_713 = arith.index_cast %mul3A_710 : i32 to index
        %get3A_714 = tpu.vector_load %arg6[%get3A_712, %get3A_713] {strides = array<i32>} : memref<64x256xf32, #tpu.memory_space<vmem>>, vector<16xf32>,
        %gt3A_715 = arith.cmpf ogt, %get3A_714, %select_n3A_706 : vector<16xf32>
        %gt3A_716 = arith.cmpf ogt, %get3A_714, %select_n3A_704 : vector<16xf32>
        %select_n3A_717 = arith.select %gt3A_716, %broadcast_in_dim3A_708, %select_n3A_702 : vector<16xi1>, vector<16xi32>
        %select_n3A_718 = arith.select %gt3A_715, %select_n3A_705, %select_n3A_717 : vector<16xi1>, vector<16xi32>
        %select_n3A_719 = arith.select %gt3A_716, %get3A_714, %select_n3A_704 : vector<16xi1>, vector<16xf32>
        %select_n3A_720 = arith.select %gt3A_715, %select_n3A_706, %select_n3A_719 : vector<16xi1>, vector<16xf32>
        %select_n3A_721 = arith.select %gt3A_715, %broadcast_in_dim3A_708, %select_n3A_705 : vector<16xi1>, vector<16xi32>
        %select_n3A_722 = arith.select %gt3A_715, %get3A_714, %select_n3A_706 : vector<16xi1>, vector<16xf32>
        %broadcast_in_dim3A_723 = arith.constant 37 : i32
        %broadcast_in_dim3A_724 = vector.broadcast %broadcast_in_dim3A_723 : i32 to vector<16xi32>
        %mul3A_725 = arith.constant 16 : i32
        %mul3A_726 = arith.muli %scan3A_107, %mul3A_725 : i32
        %get3A_727 = arith.constant 37 : i32
        %get3A_728 = arith.index_cast %get3A_727 : i32 to index
        %get3A_729 = arith.index_cast %mul3A_726 : i32 to index
        %get3A_730 = tpu.vector_load %arg6[%get3A_728, %get3A_729] {strides = array<i32>} : memref<64x256xf32, #tpu.memory_space<vmem>>, vector<16xf32>,
        %gt3A_731 = arith.cmpf ogt, %get3A_730, %select_n3A_722 : vector<16xf32>
        %gt3A_732 = arith.cmpf ogt, %get3A_730, %select_n3A_720 : vector<16xf32>
        %select_n3A_733 = arith.select %gt3A_732, %broadcast_in_dim3A_724, %select_n3A_718 : vector<16xi1>, vector<16xi32>
        %select_n3A_734 = arith.select %gt3A_731, %select_n3A_721, %select_n3A_733 : vector<16xi1>, vector<16xi32>
        %select_n3A_735 = arith.select %gt3A_732, %get3A_730, %select_n3A_720 : vector<16xi1>, vector<16xf32>
        %select_n3A_736 = arith.select %gt3A_731, %select_n3A_722, %select_n3A_735 : vector<16xi1>, vector<16xf32>
        %select_n3A_737 = arith.select %gt3A_731, %broadcast_in_dim3A_724, %select_n3A_721 : vector<16xi1>, vector<16xi32>
        %select_n3A_738 = arith.select %gt3A_731, %get3A_730, %select_n3A_722 : vector<16xi1>, vector<16xf32>
        %broadcast_in_dim3A_739 = arith.constant 38 : i32
        %broadcast_in_dim3A_740 = vector.broadcast %broadcast_in_dim3A_739 : i32 to vector<16xi32>
        %mul3A_741 = arith.constant 16 : i32
        %mul3A_742 = arith.muli %scan3A_107, %mul3A_741 : i32
        %get3A_743 = arith.constant 38 : i32
        %get3A_744 = arith.index_cast %get3A_743 : i32 to index
        %get3A_745 = arith.index_cast %mul3A_742 : i32 to index
        %get3A_746 = tpu.vector_load %arg6[%get3A_744, %get3A_745] {strides = array<i32>} : memref<64x256xf32, #tpu.memory_space<vmem>>, vector<16xf32>,
        %gt3A_747 = arith.cmpf ogt, %get3A_746, %select_n3A_738 : vector<16xf32>
        %gt3A_748 = arith.cmpf ogt, %get3A_746, %select_n3A_736 : vector<16xf32>
        %select_n3A_749 = arith.select %gt3A_748, %broadcast_in_dim3A_740, %select_n3A_734 : vector<16xi1>, vector<16xi32>
        %select_n3A_750 = arith.select %gt3A_747, %select_n3A_737, %select_n3A_749 : vector<16xi1>, vector<16xi32>
        %select_n3A_751 = arith.select %gt3A_748, %get3A_746, %select_n3A_736 : vector<16xi1>, vector<16xf32>
        %select_n3A_752 = arith.select %gt3A_747, %select_n3A_738, %select_n3A_751 : vector<16xi1>, vector<16xf32>
        %select_n3A_753 = arith.select %gt3A_747, %broadcast_in_dim3A_740, %select_n3A_737 : vector<16xi1>, vector<16xi32>
        %select_n3A_754 = arith.select %gt3A_747, %get3A_746, %select_n3A_738 : vector<16xi1>, vector<16xf32>
        %broadcast_in_dim3A_755 = arith.constant 39 : i32
        %broadcast_in_dim3A_756 = vector.broadcast %broadcast_in_dim3A_755 : i32 to vector<16xi32>
        %mul3A_757 = arith.constant 16 : i32
        %mul3A_758 = arith.muli %scan3A_107, %mul3A_757 : i32
        %get3A_759 = arith.constant 39 : i32
        %get3A_760 = arith.index_cast %get3A_759 : i32 to index
        %get3A_761 = arith.index_cast %mul3A_758 : i32 to index
        %get3A_762 = tpu.vector_load %arg6[%get3A_760, %get3A_761] {strides = array<i32>} : memref<64x256xf32, #tpu.memory_space<vmem>>, vector<16xf32>,
        %gt3A_763 = arith.cmpf ogt, %get3A_762, %select_n3A_754 : vector<16xf32>
        %gt3A_764 = arith.cmpf ogt, %get3A_762, %select_n3A_752 : vector<16xf32>
        %select_n3A_765 = arith.select %gt3A_764, %broadcast_in_dim3A_756, %select_n3A_750 : vector<16xi1>, vector<16xi32>
        %select_n3A_766 = arith.select %gt3A_763, %select_n3A_753, %select_n3A_765 : vector<16xi1>, vector<16xi32>
        %select_n3A_767 = arith.select %gt3A_764, %get3A_762, %select_n3A_752 : vector<16xi1>, vector<16xf32>
        %select_n3A_768 = arith.select %gt3A_763, %select_n3A_754, %select_n3A_767 : vector<16xi1>, vector<16xf32>
        %select_n3A_769 = arith.select %gt3A_763, %broadcast_in_dim3A_756, %select_n3A_753 : vector<16xi1>, vector<16xi32>
        %select_n3A_770 = arith.select %gt3A_763, %get3A_762, %select_n3A_754 : vector<16xi1>, vector<16xf32>
        %broadcast_in_dim3A_771 = arith.constant -1.000000e+00 : f32
        %broadcast_in_dim3A_772 = vector.broadcast %broadcast_in_dim3A_771 : f32 to vector<16xf32>
        %broadcast_in_dim3A_773 = arith.constant -1.000000e+00 : f32
        %broadcast_in_dim3A_774 = vector.broadcast %broadcast_in_dim3A_773 : f32 to vector<16xf32>
        %broadcast_in_dim3A_775 = arith.constant 40 : i32
        %broadcast_in_dim3A_776 = vector.broadcast %broadcast_in_dim3A_775 : i32 to vector<16xi32>
        %mul3A_777 = arith.constant 16 : i32
        %mul3A_778 = arith.muli %scan3A_107, %mul3A_777 : i32
        %get3A_779 = arith.constant 40 : i32
        %get3A_780 = arith.index_cast %get3A_779 : i32 to index
        %get3A_781 = arith.index_cast %mul3A_778 : i32 to index
        %get3A_782 = tpu.vector_load %arg6[%get3A_780, %get3A_781] {strides = array<i32>} : memref<64x256xf32, #tpu.memory_space<vmem>>, vector<16xf32>,
        %gt3A_783 = arith.cmpf ogt, %get3A_782, %broadcast_in_dim3A_772 : vector<16xf32>
        %gt3A_784 = arith.cmpf ogt, %get3A_782, %broadcast_in_dim3A_774 : vector<16xf32>
        %select_n3A_785 = arith.select %gt3A_784, %broadcast_in_dim3A_776, %broadcast_in_dim3A_33 : vector<16xi1>, vector<16xi32>
        %select_n3A_786 = arith.select %gt3A_783, %broadcast_in_dim3A_33, %select_n3A_785 : vector<16xi1>, vector<16xi32>
        %select_n3A_787 = arith.select %gt3A_784, %get3A_782, %broadcast_in_dim3A_774 : vector<16xi1>, vector<16xf32>
        %select_n3A_788 = arith.select %gt3A_783, %broadcast_in_dim3A_772, %select_n3A_787 : vector<16xi1>, vector<16xf32>
        %select_n3A_789 = arith.select %gt3A_783, %broadcast_in_dim3A_776, %broadcast_in_dim3A_33 : vector<16xi1>, vector<16xi32>
        %select_n3A_790 = arith.select %gt3A_783, %get3A_782, %broadcast_in_dim3A_772 : vector<16xi1>, vector<16xf32>
        %broadcast_in_dim3A_791 = arith.constant 41 : i32
        %broadcast_in_dim3A_792 = vector.broadcast %broadcast_in_dim3A_791 : i32 to vector<16xi32>
        %mul3A_793 = arith.constant 16 : i32
        %mul3A_794 = arith.muli %scan3A_107, %mul3A_793 : i32
        %get3A_795 = arith.constant 41 : i32
        %get3A_796 = arith.index_cast %get3A_795 : i32 to index
        %get3A_797 = arith.index_cast %mul3A_794 : i32 to index
        %get3A_798 = tpu.vector_load %arg6[%get3A_796, %get3A_797] {strides = array<i32>} : memref<64x256xf32, #tpu.memory_space<vmem>>, vector<16xf32>,
        %gt3A_799 = arith.cmpf ogt, %get3A_798, %select_n3A_790 : vector<16xf32>
        %gt3A_800 = arith.cmpf ogt, %get3A_798, %select_n3A_788 : vector<16xf32>
        %select_n3A_801 = arith.select %gt3A_800, %broadcast_in_dim3A_792, %select_n3A_786 : vector<16xi1>, vector<16xi32>
        %select_n3A_802 = arith.select %gt3A_799, %select_n3A_789, %select_n3A_801 : vector<16xi1>, vector<16xi32>
        %select_n3A_803 = arith.select %gt3A_800, %get3A_798, %select_n3A_788 : vector<16xi1>, vector<16xf32>
        %select_n3A_804 = arith.select %gt3A_799, %select_n3A_790, %select_n3A_803 : vector<16xi1>, vector<16xf32>
        %select_n3A_805 = arith.select %gt3A_799, %broadcast_in_dim3A_792, %select_n3A_789 : vector<16xi1>, vector<16xi32>
        %select_n3A_806 = arith.select %gt3A_799, %get3A_798, %select_n3A_790 : vector<16xi1>, vector<16xf32>
        %broadcast_in_dim3A_807 = arith.constant 42 : i32
        %broadcast_in_dim3A_808 = vector.broadcast %broadcast_in_dim3A_807 : i32 to vector<16xi32>
        %mul3A_809 = arith.constant 16 : i32
        %mul3A_810 = arith.muli %scan3A_107, %mul3A_809 : i32
        %get3A_811 = arith.constant 42 : i32
        %get3A_812 = arith.index_cast %get3A_811 : i32 to index
        %get3A_813 = arith.index_cast %mul3A_810 : i32 to index
        %get3A_814 = tpu.vector_load %arg6[%get3A_812, %get3A_813] {strides = array<i32>} : memref<64x256xf32, #tpu.memory_space<vmem>>, vector<16xf32>,
        %gt3A_815 = arith.cmpf ogt, %get3A_814, %select_n3A_806 : vector<16xf32>
        %gt3A_816 = arith.cmpf ogt, %get3A_814, %select_n3A_804 : vector<16xf32>
        %select_n3A_817 = arith.select %gt3A_816, %broadcast_in_dim3A_808, %select_n3A_802 : vector<16xi1>, vector<16xi32>
        %select_n3A_818 = arith.select %gt3A_815, %select_n3A_805, %select_n3A_817 : vector<16xi1>, vector<16xi32>
        %select_n3A_819 = arith.select %gt3A_816, %get3A_814, %select_n3A_804 : vector<16xi1>, vector<16xf32>
        %select_n3A_820 = arith.select %gt3A_815, %select_n3A_806, %select_n3A_819 : vector<16xi1>, vector<16xf32>
        %select_n3A_821 = arith.select %gt3A_815, %broadcast_in_dim3A_808, %select_n3A_805 : vector<16xi1>, vector<16xi32>
        %select_n3A_822 = arith.select %gt3A_815, %get3A_814, %select_n3A_806 : vector<16xi1>, vector<16xf32>
        %broadcast_in_dim3A_823 = arith.constant 43 : i32
        %broadcast_in_dim3A_824 = vector.broadcast %broadcast_in_dim3A_823 : i32 to vector<16xi32>
        %mul3A_825 = arith.constant 16 : i32
        %mul3A_826 = arith.muli %scan3A_107, %mul3A_825 : i32
        %get3A_827 = arith.constant 43 : i32
        %get3A_828 = arith.index_cast %get3A_827 : i32 to index
        %get3A_829 = arith.index_cast %mul3A_826 : i32 to index
        %get3A_830 = tpu.vector_load %arg6[%get3A_828, %get3A_829] {strides = array<i32>} : memref<64x256xf32, #tpu.memory_space<vmem>>, vector<16xf32>,
        %gt3A_831 = arith.cmpf ogt, %get3A_830, %select_n3A_822 : vector<16xf32>
        %gt3A_832 = arith.cmpf ogt, %get3A_830, %select_n3A_820 : vector<16xf32>
        %select_n3A_833 = arith.select %gt3A_832, %broadcast_in_dim3A_824, %select_n3A_818 : vector<16xi1>, vector<16xi32>
        %select_n3A_834 = arith.select %gt3A_831, %select_n3A_821, %select_n3A_833 : vector<16xi1>, vector<16xi32>
        %select_n3A_835 = arith.select %gt3A_832, %get3A_830, %select_n3A_820 : vector<16xi1>, vector<16xf32>
        %select_n3A_836 = arith.select %gt3A_831, %select_n3A_822, %select_n3A_835 : vector<16xi1>, vector<16xf32>
        %select_n3A_837 = arith.select %gt3A_831, %broadcast_in_dim3A_824, %select_n3A_821 : vector<16xi1>, vector<16xi32>
        %select_n3A_838 = arith.select %gt3A_831, %get3A_830, %select_n3A_822 : vector<16xi1>, vector<16xf32>
        %broadcast_in_dim3A_839 = arith.constant 44 : i32
        %broadcast_in_dim3A_840 = vector.broadcast %broadcast_in_dim3A_839 : i32 to vector<16xi32>
        %mul3A_841 = arith.constant 16 : i32
        %mul3A_842 = arith.muli %scan3A_107, %mul3A_841 : i32
        %get3A_843 = arith.constant 44 : i32
        %get3A_844 = arith.index_cast %get3A_843 : i32 to index
        %get3A_845 = arith.index_cast %mul3A_842 : i32 to index
        %get3A_846 = tpu.vector_load %arg6[%get3A_844, %get3A_845] {strides = array<i32>} : memref<64x256xf32, #tpu.memory_space<vmem>>, vector<16xf32>,
        %gt3A_847 = arith.cmpf ogt, %get3A_846, %select_n3A_838 : vector<16xf32>
        %gt3A_848 = arith.cmpf ogt, %get3A_846, %select_n3A_836 : vector<16xf32>
        %select_n3A_849 = arith.select %gt3A_848, %broadcast_in_dim3A_840, %select_n3A_834 : vector<16xi1>, vector<16xi32>
        %select_n3A_850 = arith.select %gt3A_847, %select_n3A_837, %select_n3A_849 : vector<16xi1>, vector<16xi32>
        %select_n3A_851 = arith.select %gt3A_848, %get3A_846, %select_n3A_836 : vector<16xi1>, vector<16xf32>
        %select_n3A_852 = arith.select %gt3A_847, %select_n3A_838, %select_n3A_851 : vector<16xi1>, vector<16xf32>
        %select_n3A_853 = arith.select %gt3A_847, %broadcast_in_dim3A_840, %select_n3A_837 : vector<16xi1>, vector<16xi32>
        %select_n3A_854 = arith.select %gt3A_847, %get3A_846, %select_n3A_838 : vector<16xi1>, vector<16xf32>
        %broadcast_in_dim3A_855 = arith.constant 45 : i32
        %broadcast_in_dim3A_856 = vector.broadcast %broadcast_in_dim3A_855 : i32 to vector<16xi32>
        %mul3A_857 = arith.constant 16 : i32
        %mul3A_858 = arith.muli %scan3A_107, %mul3A_857 : i32
        %get3A_859 = arith.constant 45 : i32
        %get3A_860 = arith.index_cast %get3A_859 : i32 to index
        %get3A_861 = arith.index_cast %mul3A_858 : i32 to index
        %get3A_862 = tpu.vector_load %arg6[%get3A_860, %get3A_861] {strides = array<i32>} : memref<64x256xf32, #tpu.memory_space<vmem>>, vector<16xf32>,
        %gt3A_863 = arith.cmpf ogt, %get3A_862, %select_n3A_854 : vector<16xf32>
        %gt3A_864 = arith.cmpf ogt, %get3A_862, %select_n3A_852 : vector<16xf32>
        %select_n3A_865 = arith.select %gt3A_864, %broadcast_in_dim3A_856, %select_n3A_850 : vector<16xi1>, vector<16xi32>
        %select_n3A_866 = arith.select %gt3A_863, %select_n3A_853, %select_n3A_865 : vector<16xi1>, vector<16xi32>
        %select_n3A_867 = arith.select %gt3A_864, %get3A_862, %select_n3A_852 : vector<16xi1>, vector<16xf32>
        %select_n3A_868 = arith.select %gt3A_863, %select_n3A_854, %select_n3A_867 : vector<16xi1>, vector<16xf32>
        %select_n3A_869 = arith.select %gt3A_863, %broadcast_in_dim3A_856, %select_n3A_853 : vector<16xi1>, vector<16xi32>
        %select_n3A_870 = arith.select %gt3A_863, %get3A_862, %select_n3A_854 : vector<16xi1>, vector<16xf32>
        %broadcast_in_dim3A_871 = arith.constant 46 : i32
        %broadcast_in_dim3A_872 = vector.broadcast %broadcast_in_dim3A_871 : i32 to vector<16xi32>
        %mul3A_873 = arith.constant 16 : i32
        %mul3A_874 = arith.muli %scan3A_107, %mul3A_873 : i32
        %get3A_875 = arith.constant 46 : i32
        %get3A_876 = arith.index_cast %get3A_875 : i32 to index
        %get3A_877 = arith.index_cast %mul3A_874 : i32 to index
        %get3A_878 = tpu.vector_load %arg6[%get3A_876, %get3A_877] {strides = array<i32>} : memref<64x256xf32, #tpu.memory_space<vmem>>, vector<16xf32>,
        %gt3A_879 = arith.cmpf ogt, %get3A_878, %select_n3A_870 : vector<16xf32>
        %gt3A_880 = arith.cmpf ogt, %get3A_878, %select_n3A_868 : vector<16xf32>
        %select_n3A_881 = arith.select %gt3A_880, %broadcast_in_dim3A_872, %select_n3A_866 : vector<16xi1>, vector<16xi32>
        %select_n3A_882 = arith.select %gt3A_879, %select_n3A_869, %select_n3A_881 : vector<16xi1>, vector<16xi32>
        %select_n3A_883 = arith.select %gt3A_880, %get3A_878, %select_n3A_868 : vector<16xi1>, vector<16xf32>
        %select_n3A_884 = arith.select %gt3A_879, %select_n3A_870, %select_n3A_883 : vector<16xi1>, vector<16xf32>
        %select_n3A_885 = arith.select %gt3A_879, %broadcast_in_dim3A_872, %select_n3A_869 : vector<16xi1>, vector<16xi32>
        %select_n3A_886 = arith.select %gt3A_879, %get3A_878, %select_n3A_870 : vector<16xi1>, vector<16xf32>
        %broadcast_in_dim3A_887 = arith.constant 47 : i32
        %broadcast_in_dim3A_888 = vector.broadcast %broadcast_in_dim3A_887 : i32 to vector<16xi32>
        %mul3A_889 = arith.constant 16 : i32
        %mul3A_890 = arith.muli %scan3A_107, %mul3A_889 : i32
        %get3A_891 = arith.constant 47 : i32
        %get3A_892 = arith.index_cast %get3A_891 : i32 to index
        %get3A_893 = arith.index_cast %mul3A_890 : i32 to index
        %get3A_894 = tpu.vector_load %arg6[%get3A_892, %get3A_893] {strides = array<i32>} : memref<64x256xf32, #tpu.memory_space<vmem>>, vector<16xf32>,
        %gt3A_895 = arith.cmpf ogt, %get3A_894, %select_n3A_886 : vector<16xf32>
        %gt3A_896 = arith.cmpf ogt, %get3A_894, %select_n3A_884 : vector<16xf32>
        %select_n3A_897 = arith.select %gt3A_896, %broadcast_in_dim3A_888, %select_n3A_882 : vector<16xi1>, vector<16xi32>
        %select_n3A_898 = arith.select %gt3A_895, %select_n3A_885, %select_n3A_897 : vector<16xi1>, vector<16xi32>
        %select_n3A_899 = arith.select %gt3A_896, %get3A_894, %select_n3A_884 : vector<16xi1>, vector<16xf32>
        %select_n3A_900 = arith.select %gt3A_895, %select_n3A_886, %select_n3A_899 : vector<16xi1>, vector<16xf32>
        %select_n3A_901 = arith.select %gt3A_895, %broadcast_in_dim3A_888, %select_n3A_885 : vector<16xi1>, vector<16xi32>
        %select_n3A_902 = arith.select %gt3A_895, %get3A_894, %select_n3A_886 : vector<16xi1>, vector<16xf32>
        %broadcast_in_dim3A_903 = arith.constant -1.000000e+00 : f32
        %broadcast_in_dim3A_904 = vector.broadcast %broadcast_in_dim3A_903 : f32 to vector<16xf32>
        %broadcast_in_dim3A_905 = arith.constant -1.000000e+00 : f32
        %broadcast_in_dim3A_906 = vector.broadcast %broadcast_in_dim3A_905 : f32 to vector<16xf32>
        %broadcast_in_dim3A_907 = arith.constant 48 : i32
        %broadcast_in_dim3A_908 = vector.broadcast %broadcast_in_dim3A_907 : i32 to vector<16xi32>
        %mul3A_909 = arith.constant 16 : i32
        %mul3A_910 = arith.muli %scan3A_107, %mul3A_909 : i32
        %get3A_911 = arith.constant 48 : i32
        %get3A_912 = arith.index_cast %get3A_911 : i32 to index
        %get3A_913 = arith.index_cast %mul3A_910 : i32 to index
        %get3A_914 = tpu.vector_load %arg6[%get3A_912, %get3A_913] {strides = array<i32>} : memref<64x256xf32, #tpu.memory_space<vmem>>, vector<16xf32>,
        %gt3A_915 = arith.cmpf ogt, %get3A_914, %broadcast_in_dim3A_904 : vector<16xf32>
        %gt3A_916 = arith.cmpf ogt, %get3A_914, %broadcast_in_dim3A_906 : vector<16xf32>
        %select_n3A_917 = arith.select %gt3A_916, %broadcast_in_dim3A_908, %broadcast_in_dim3A_33 : vector<16xi1>, vector<16xi32>
        %select_n3A_918 = arith.select %gt3A_915, %broadcast_in_dim3A_33, %select_n3A_917 : vector<16xi1>, vector<16xi32>
        %select_n3A_919 = arith.select %gt3A_916, %get3A_914, %broadcast_in_dim3A_906 : vector<16xi1>, vector<16xf32>
        %select_n3A_920 = arith.select %gt3A_915, %broadcast_in_dim3A_904, %select_n3A_919 : vector<16xi1>, vector<16xf32>
        %select_n3A_921 = arith.select %gt3A_915, %broadcast_in_dim3A_908, %broadcast_in_dim3A_33 : vector<16xi1>, vector<16xi32>
        %select_n3A_922 = arith.select %gt3A_915, %get3A_914, %broadcast_in_dim3A_904 : vector<16xi1>, vector<16xf32>
        %broadcast_in_dim3A_923 = arith.constant 49 : i32
        %broadcast_in_dim3A_924 = vector.broadcast %broadcast_in_dim3A_923 : i32 to vector<16xi32>
        %mul3A_925 = arith.constant 16 : i32
        %mul3A_926 = arith.muli %scan3A_107, %mul3A_925 : i32
        %get3A_927 = arith.constant 49 : i32
        %get3A_928 = arith.index_cast %get3A_927 : i32 to index
        %get3A_929 = arith.index_cast %mul3A_926 : i32 to index
        %get3A_930 = tpu.vector_load %arg6[%get3A_928, %get3A_929] {strides = array<i32>} : memref<64x256xf32, #tpu.memory_space<vmem>>, vector<16xf32>,
        %gt3A_931 = arith.cmpf ogt, %get3A_930, %select_n3A_922 : vector<16xf32>
        %gt3A_932 = arith.cmpf ogt, %get3A_930, %select_n3A_920 : vector<16xf32>
        %select_n3A_933 = arith.select %gt3A_932, %broadcast_in_dim3A_924, %select_n3A_918 : vector<16xi1>, vector<16xi32>
        %select_n3A_934 = arith.select %gt3A_931, %select_n3A_921, %select_n3A_933 : vector<16xi1>, vector<16xi32>
        %select_n3A_935 = arith.select %gt3A_932, %get3A_930, %select_n3A_920 : vector<16xi1>, vector<16xf32>
        %select_n3A_936 = arith.select %gt3A_931, %select_n3A_922, %select_n3A_935 : vector<16xi1>, vector<16xf32>
        %select_n3A_937 = arith.select %gt3A_931, %broadcast_in_dim3A_924, %select_n3A_921 : vector<16xi1>, vector<16xi32>
        %select_n3A_938 = arith.select %gt3A_931, %get3A_930, %select_n3A_922 : vector<16xi1>, vector<16xf32>
        %broadcast_in_dim3A_939 = arith.constant 50 : i32
        %broadcast_in_dim3A_940 = vector.broadcast %broadcast_in_dim3A_939 : i32 to vector<16xi32>
        %mul3A_941 = arith.constant 16 : i32
        %mul3A_942 = arith.muli %scan3A_107, %mul3A_941 : i32
        %get3A_943 = arith.constant 50 : i32
        %get3A_944 = arith.index_cast %get3A_943 : i32 to index
        %get3A_945 = arith.index_cast %mul3A_942 : i32 to index
        %get3A_946 = tpu.vector_load %arg6[%get3A_944, %get3A_945] {strides = array<i32>} : memref<64x256xf32, #tpu.memory_space<vmem>>, vector<16xf32>,
        %gt3A_947 = arith.cmpf ogt, %get3A_946, %select_n3A_938 : vector<16xf32>
        %gt3A_948 = arith.cmpf ogt, %get3A_946, %select_n3A_936 : vector<16xf32>
        %select_n3A_949 = arith.select %gt3A_948, %broadcast_in_dim3A_940, %select_n3A_934 : vector<16xi1>, vector<16xi32>
        %select_n3A_950 = arith.select %gt3A_947, %select_n3A_937, %select_n3A_949 : vector<16xi1>, vector<16xi32>
        %select_n3A_951 = arith.select %gt3A_948, %get3A_946, %select_n3A_936 : vector<16xi1>, vector<16xf32>
        %select_n3A_952 = arith.select %gt3A_947, %select_n3A_938, %select_n3A_951 : vector<16xi1>, vector<16xf32>
        %select_n3A_953 = arith.select %gt3A_947, %broadcast_in_dim3A_940, %select_n3A_937 : vector<16xi1>, vector<16xi32>
        %select_n3A_954 = arith.select %gt3A_947, %get3A_946, %select_n3A_938 : vector<16xi1>, vector<16xf32>
        %broadcast_in_dim3A_955 = arith.constant 51 : i32
        %broadcast_in_dim3A_956 = vector.broadcast %broadcast_in_dim3A_955 : i32 to vector<16xi32>
        %mul3A_957 = arith.constant 16 : i32
        %mul3A_958 = arith.muli %scan3A_107, %mul3A_957 : i32
        %get3A_959 = arith.constant 51 : i32
        %get3A_960 = arith.index_cast %get3A_959 : i32 to index
        %get3A_961 = arith.index_cast %mul3A_958 : i32 to index
        %get3A_962 = tpu.vector_load %arg6[%get3A_960, %get3A_961] {strides = array<i32>} : memref<64x256xf32, #tpu.memory_space<vmem>>, vector<16xf32>,
        %gt3A_963 = arith.cmpf ogt, %get3A_962, %select_n3A_954 : vector<16xf32>
        %gt3A_964 = arith.cmpf ogt, %get3A_962, %select_n3A_952 : vector<16xf32>
        %select_n3A_965 = arith.select %gt3A_964, %broadcast_in_dim3A_956, %select_n3A_950 : vector<16xi1>, vector<16xi32>
        %select_n3A_966 = arith.select %gt3A_963, %select_n3A_953, %select_n3A_965 : vector<16xi1>, vector<16xi32>
        %select_n3A_967 = arith.select %gt3A_964, %get3A_962, %select_n3A_952 : vector<16xi1>, vector<16xf32>
        %select_n3A_968 = arith.select %gt3A_963, %select_n3A_954, %select_n3A_967 : vector<16xi1>, vector<16xf32>
        %select_n3A_969 = arith.select %gt3A_963, %broadcast_in_dim3A_956, %select_n3A_953 : vector<16xi1>, vector<16xi32>
        %select_n3A_970 = arith.select %gt3A_963, %get3A_962, %select_n3A_954 : vector<16xi1>, vector<16xf32>
        %broadcast_in_dim3A_971 = arith.constant 52 : i32
        %broadcast_in_dim3A_972 = vector.broadcast %broadcast_in_dim3A_971 : i32 to vector<16xi32>
        %mul3A_973 = arith.constant 16 : i32
        %mul3A_974 = arith.muli %scan3A_107, %mul3A_973 : i32
        %get3A_975 = arith.constant 52 : i32
        %get3A_976 = arith.index_cast %get3A_975 : i32 to index
        %get3A_977 = arith.index_cast %mul3A_974 : i32 to index
        %get3A_978 = tpu.vector_load %arg6[%get3A_976, %get3A_977] {strides = array<i32>} : memref<64x256xf32, #tpu.memory_space<vmem>>, vector<16xf32>,
        %gt3A_979 = arith.cmpf ogt, %get3A_978, %select_n3A_970 : vector<16xf32>
        %gt3A_980 = arith.cmpf ogt, %get3A_978, %select_n3A_968 : vector<16xf32>
        %select_n3A_981 = arith.select %gt3A_980, %broadcast_in_dim3A_972, %select_n3A_966 : vector<16xi1>, vector<16xi32>
        %select_n3A_982 = arith.select %gt3A_979, %select_n3A_969, %select_n3A_981 : vector<16xi1>, vector<16xi32>
        %select_n3A_983 = arith.select %gt3A_980, %get3A_978, %select_n3A_968 : vector<16xi1>, vector<16xf32>
        %select_n3A_984 = arith.select %gt3A_979, %select_n3A_970, %select_n3A_983 : vector<16xi1>, vector<16xf32>
        %select_n3A_985 = arith.select %gt3A_979, %broadcast_in_dim3A_972, %select_n3A_969 : vector<16xi1>, vector<16xi32>
        %select_n3A_986 = arith.select %gt3A_979, %get3A_978, %select_n3A_970 : vector<16xi1>, vector<16xf32>
        %broadcast_in_dim3A_987 = arith.constant 53 : i32
        %broadcast_in_dim3A_988 = vector.broadcast %broadcast_in_dim3A_987 : i32 to vector<16xi32>
        %mul3A_989 = arith.constant 16 : i32
        %mul3A_990 = arith.muli %scan3A_107, %mul3A_989 : i32
        %get3A_991 = arith.constant 53 : i32
        %get3A_992 = arith.index_cast %get3A_991 : i32 to index
        %get3A_993 = arith.index_cast %mul3A_990 : i32 to index
        %get3A_994 = tpu.vector_load %arg6[%get3A_992, %get3A_993] {strides = array<i32>} : memref<64x256xf32, #tpu.memory_space<vmem>>, vector<16xf32>,
        %gt3A_995 = arith.cmpf ogt, %get3A_994, %select_n3A_986 : vector<16xf32>
        %gt3A_996 = arith.cmpf ogt, %get3A_994, %select_n3A_984 : vector<16xf32>
        %select_n3A_997 = arith.select %gt3A_996, %broadcast_in_dim3A_988, %select_n3A_982 : vector<16xi1>, vector<16xi32>
        %select_n3A_998 = arith.select %gt3A_995, %select_n3A_985, %select_n3A_997 : vector<16xi1>, vector<16xi32>
        %select_n3A_999 = arith.select %gt3A_996, %get3A_994, %select_n3A_984 : vector<16xi1>, vector<16xf32>
        %select_n3A_1000 = arith.select %gt3A_995, %select_n3A_986, %select_n3A_999 : vector<16xi1>, vector<16xf32>
        %select_n3A_1001 = arith.select %gt3A_995, %broadcast_in_dim3A_988, %select_n3A_985 : vector<16xi1>, vector<16xi32>
        %select_n3A_1002 = arith.select %gt3A_995, %get3A_994, %select_n3A_986 : vector<16xi1>, vector<16xf32>
        %broadcast_in_dim3A_1003 = arith.constant 54 : i32
        %broadcast_in_dim3A_1004 = vector.broadcast %broadcast_in_dim3A_1003 : i32 to vector<16xi32>
        %mul3A_1005 = arith.constant 16 : i32
        %mul3A_1006 = arith.muli %scan3A_107, %mul3A_1005 : i32
        %get3A_1007 = arith.constant 54 : i32
        %get3A_1008 = arith.index_cast %get3A_1007 : i32 to index
        %get3A_1009 = arith.index_cast %mul3A_1006 : i32 to index
        %get3A_1010 = tpu.vector_load %arg6[%get3A_1008, %get3A_1009] {strides = array<i32>} : memref<64x256xf32, #tpu.memory_space<vmem>>, vector<16xf32>,
        %gt3A_1011 = arith.cmpf ogt, %get3A_1010, %select_n3A_1002 : vector<16xf32>
        %gt3A_1012 = arith.cmpf ogt, %get3A_1010, %select_n3A_1000 : vector<16xf32>
        %select_n3A_1013 = arith.select %gt3A_1012, %broadcast_in_dim3A_1004, %select_n3A_998 : vector<16xi1>, vector<16xi32>
        %select_n3A_1014 = arith.select %gt3A_1011, %select_n3A_1001, %select_n3A_1013 : vector<16xi1>, vector<16xi32>
        %select_n3A_1015 = arith.select %gt3A_1012, %get3A_1010, %select_n3A_1000 : vector<16xi1>, vector<16xf32>
        %select_n3A_1016 = arith.select %gt3A_1011, %select_n3A_1002, %select_n3A_1015 : vector<16xi1>, vector<16xf32>
        %select_n3A_1017 = arith.select %gt3A_1011, %broadcast_in_dim3A_1004, %select_n3A_1001 : vector<16xi1>, vector<16xi32>
        %select_n3A_1018 = arith.select %gt3A_1011, %get3A_1010, %select_n3A_1002 : vector<16xi1>, vector<16xf32>
        %broadcast_in_dim3A_1019 = arith.constant 55 : i32
        %broadcast_in_dim3A_1020 = vector.broadcast %broadcast_in_dim3A_1019 : i32 to vector<16xi32>
        %mul3A_1021 = arith.constant 16 : i32
        %mul3A_1022 = arith.muli %scan3A_107, %mul3A_1021 : i32
        %get3A_1023 = arith.constant 55 : i32
        %get3A_1024 = arith.index_cast %get3A_1023 : i32 to index
        %get3A_1025 = arith.index_cast %mul3A_1022 : i32 to index
        %get3A_1026 = tpu.vector_load %arg6[%get3A_1024, %get3A_1025] {strides = array<i32>} : memref<64x256xf32, #tpu.memory_space<vmem>>, vector<16xf32>,
        %gt3A_1027 = arith.cmpf ogt, %get3A_1026, %select_n3A_1018 : vector<16xf32>
        %gt3A_1028 = arith.cmpf ogt, %get3A_1026, %select_n3A_1016 : vector<16xf32>
        %select_n3A_1029 = arith.select %gt3A_1028, %broadcast_in_dim3A_1020, %select_n3A_1014 : vector<16xi1>, vector<16xi32>
        %select_n3A_1030 = arith.select %gt3A_1027, %select_n3A_1017, %select_n3A_1029 : vector<16xi1>, vector<16xi32>
        %select_n3A_1031 = arith.select %gt3A_1028, %get3A_1026, %select_n3A_1016 : vector<16xi1>, vector<16xf32>
        %select_n3A_1032 = arith.select %gt3A_1027, %select_n3A_1018, %select_n3A_1031 : vector<16xi1>, vector<16xf32>
        %select_n3A_1033 = arith.select %gt3A_1027, %broadcast_in_dim3A_1020, %select_n3A_1017 : vector<16xi1>, vector<16xi32>
        %select_n3A_1034 = arith.select %gt3A_1027, %get3A_1026, %select_n3A_1018 : vector<16xi1>, vector<16xf32>
        %broadcast_in_dim3A_1035 = arith.constant -1.000000e+00 : f32
        %broadcast_in_dim3A_1036 = vector.broadcast %broadcast_in_dim3A_1035 : f32 to vector<16xf32>
        %broadcast_in_dim3A_1037 = arith.constant -1.000000e+00 : f32
        %broadcast_in_dim3A_1038 = vector.broadcast %broadcast_in_dim3A_1037 : f32 to vector<16xf32>
        %broadcast_in_dim3A_1039 = arith.constant 56 : i32
        %broadcast_in_dim3A_1040 = vector.broadcast %broadcast_in_dim3A_1039 : i32 to vector<16xi32>
        %mul3A_1041 = arith.constant 16 : i32
        %mul3A_1042 = arith.muli %scan3A_107, %mul3A_1041 : i32
        %get3A_1043 = arith.constant 56 : i32
        %get3A_1044 = arith.index_cast %get3A_1043 : i32 to index
        %get3A_1045 = arith.index_cast %mul3A_1042 : i32 to index
        %get3A_1046 = tpu.vector_load %arg6[%get3A_1044, %get3A_1045] {strides = array<i32>} : memref<64x256xf32, #tpu.memory_space<vmem>>, vector<16xf32>,
        %gt3A_1047 = arith.cmpf ogt, %get3A_1046, %broadcast_in_dim3A_1036 : vector<16xf32>
        %gt3A_1048 = arith.cmpf ogt, %get3A_1046, %broadcast_in_dim3A_1038 : vector<16xf32>
        %select_n3A_1049 = arith.select %gt3A_1048, %broadcast_in_dim3A_1040, %broadcast_in_dim3A_33 : vector<16xi1>, vector<16xi32>
        %select_n3A_1050 = arith.select %gt3A_1047, %broadcast_in_dim3A_33, %select_n3A_1049 : vector<16xi1>, vector<16xi32>
        %select_n3A_1051 = arith.select %gt3A_1048, %get3A_1046, %broadcast_in_dim3A_1038 : vector<16xi1>, vector<16xf32>
        %select_n3A_1052 = arith.select %gt3A_1047, %broadcast_in_dim3A_1036, %select_n3A_1051 : vector<16xi1>, vector<16xf32>
        %select_n3A_1053 = arith.select %gt3A_1047, %broadcast_in_dim3A_1040, %broadcast_in_dim3A_33 : vector<16xi1>, vector<16xi32>
        %select_n3A_1054 = arith.select %gt3A_1047, %get3A_1046, %broadcast_in_dim3A_1036 : vector<16xi1>, vector<16xf32>
        %broadcast_in_dim3A_1055 = arith.constant 57 : i32
        %broadcast_in_dim3A_1056 = vector.broadcast %broadcast_in_dim3A_1055 : i32 to vector<16xi32>
        %mul3A_1057 = arith.constant 16 : i32
        %mul3A_1058 = arith.muli %scan3A_107, %mul3A_1057 : i32
        %get3A_1059 = arith.constant 57 : i32
        %get3A_1060 = arith.index_cast %get3A_1059 : i32 to index
        %get3A_1061 = arith.index_cast %mul3A_1058 : i32 to index
        %get3A_1062 = tpu.vector_load %arg6[%get3A_1060, %get3A_1061] {strides = array<i32>} : memref<64x256xf32, #tpu.memory_space<vmem>>, vector<16xf32>,
        %gt3A_1063 = arith.cmpf ogt, %get3A_1062, %select_n3A_1054 : vector<16xf32>
        %gt3A_1064 = arith.cmpf ogt, %get3A_1062, %select_n3A_1052 : vector<16xf32>
        %select_n3A_1065 = arith.select %gt3A_1064, %broadcast_in_dim3A_1056, %select_n3A_1050 : vector<16xi1>, vector<16xi32>
        %select_n3A_1066 = arith.select %gt3A_1063, %select_n3A_1053, %select_n3A_1065 : vector<16xi1>, vector<16xi32>
        %select_n3A_1067 = arith.select %gt3A_1064, %get3A_1062, %select_n3A_1052 : vector<16xi1>, vector<16xf32>
        %select_n3A_1068 = arith.select %gt3A_1063, %select_n3A_1054, %select_n3A_1067 : vector<16xi1>, vector<16xf32>
        %select_n3A_1069 = arith.select %gt3A_1063, %broadcast_in_dim3A_1056, %select_n3A_1053 : vector<16xi1>, vector<16xi32>
        %select_n3A_1070 = arith.select %gt3A_1063, %get3A_1062, %select_n3A_1054 : vector<16xi1>, vector<16xf32>
        %broadcast_in_dim3A_1071 = arith.constant 58 : i32
        %broadcast_in_dim3A_1072 = vector.broadcast %broadcast_in_dim3A_1071 : i32 to vector<16xi32>
        %mul3A_1073 = arith.constant 16 : i32
        %mul3A_1074 = arith.muli %scan3A_107, %mul3A_1073 : i32
        %get3A_1075 = arith.constant 58 : i32
        %get3A_1076 = arith.index_cast %get3A_1075 : i32 to index
        %get3A_1077 = arith.index_cast %mul3A_1074 : i32 to index
        %get3A_1078 = tpu.vector_load %arg6[%get3A_1076, %get3A_1077] {strides = array<i32>} : memref<64x256xf32, #tpu.memory_space<vmem>>, vector<16xf32>,
        %gt3A_1079 = arith.cmpf ogt, %get3A_1078, %select_n3A_1070 : vector<16xf32>
        %gt3A_1080 = arith.cmpf ogt, %get3A_1078, %select_n3A_1068 : vector<16xf32>
        %select_n3A_1081 = arith.select %gt3A_1080, %broadcast_in_dim3A_1072, %select_n3A_1066 : vector<16xi1>, vector<16xi32>
        %select_n3A_1082 = arith.select %gt3A_1079, %select_n3A_1069, %select_n3A_1081 : vector<16xi1>, vector<16xi32>
        %select_n3A_1083 = arith.select %gt3A_1080, %get3A_1078, %select_n3A_1068 : vector<16xi1>, vector<16xf32>
        %select_n3A_1084 = arith.select %gt3A_1079, %select_n3A_1070, %select_n3A_1083 : vector<16xi1>, vector<16xf32>
        %select_n3A_1085 = arith.select %gt3A_1079, %broadcast_in_dim3A_1072, %select_n3A_1069 : vector<16xi1>, vector<16xi32>
        %select_n3A_1086 = arith.select %gt3A_1079, %get3A_1078, %select_n3A_1070 : vector<16xi1>, vector<16xf32>
        %broadcast_in_dim3A_1087 = arith.constant 59 : i32
        %broadcast_in_dim3A_1088 = vector.broadcast %broadcast_in_dim3A_1087 : i32 to vector<16xi32>
        %mul3A_1089 = arith.constant 16 : i32
        %mul3A_1090 = arith.muli %scan3A_107, %mul3A_1089 : i32
        %get3A_1091 = arith.constant 59 : i32
        %get3A_1092 = arith.index_cast %get3A_1091 : i32 to index
        %get3A_1093 = arith.index_cast %mul3A_1090 : i32 to index
        %get3A_1094 = tpu.vector_load %arg6[%get3A_1092, %get3A_1093] {strides = array<i32>} : memref<64x256xf32, #tpu.memory_space<vmem>>, vector<16xf32>,
        %gt3A_1095 = arith.cmpf ogt, %get3A_1094, %select_n3A_1086 : vector<16xf32>
        %gt3A_1096 = arith.cmpf ogt, %get3A_1094, %select_n3A_1084 : vector<16xf32>
        %select_n3A_1097 = arith.select %gt3A_1096, %broadcast_in_dim3A_1088, %select_n3A_1082 : vector<16xi1>, vector<16xi32>
        %select_n3A_1098 = arith.select %gt3A_1095, %select_n3A_1085, %select_n3A_1097 : vector<16xi1>, vector<16xi32>
        %select_n3A_1099 = arith.select %gt3A_1096, %get3A_1094, %select_n3A_1084 : vector<16xi1>, vector<16xf32>
        %select_n3A_1100 = arith.select %gt3A_1095, %select_n3A_1086, %select_n3A_1099 : vector<16xi1>, vector<16xf32>
        %select_n3A_1101 = arith.select %gt3A_1095, %broadcast_in_dim3A_1088, %select_n3A_1085 : vector<16xi1>, vector<16xi32>
        %select_n3A_1102 = arith.select %gt3A_1095, %get3A_1094, %select_n3A_1086 : vector<16xi1>, vector<16xf32>
        %broadcast_in_dim3A_1103 = arith.constant 60 : i32
        %broadcast_in_dim3A_1104 = vector.broadcast %broadcast_in_dim3A_1103 : i32 to vector<16xi32>
        %mul3A_1105 = arith.constant 16 : i32
        %mul3A_1106 = arith.muli %scan3A_107, %mul3A_1105 : i32
        %get3A_1107 = arith.constant 60 : i32
        %get3A_1108 = arith.index_cast %get3A_1107 : i32 to index
        %get3A_1109 = arith.index_cast %mul3A_1106 : i32 to index
        %get3A_1110 = tpu.vector_load %arg6[%get3A_1108, %get3A_1109] {strides = array<i32>} : memref<64x256xf32, #tpu.memory_space<vmem>>, vector<16xf32>,
        %gt3A_1111 = arith.cmpf ogt, %get3A_1110, %select_n3A_1102 : vector<16xf32>
        %gt3A_1112 = arith.cmpf ogt, %get3A_1110, %select_n3A_1100 : vector<16xf32>
        %select_n3A_1113 = arith.select %gt3A_1112, %broadcast_in_dim3A_1104, %select_n3A_1098 : vector<16xi1>, vector<16xi32>
        %select_n3A_1114 = arith.select %gt3A_1111, %select_n3A_1101, %select_n3A_1113 : vector<16xi1>, vector<16xi32>
        %select_n3A_1115 = arith.select %gt3A_1112, %get3A_1110, %select_n3A_1100 : vector<16xi1>, vector<16xf32>
        %select_n3A_1116 = arith.select %gt3A_1111, %select_n3A_1102, %select_n3A_1115 : vector<16xi1>, vector<16xf32>
        %select_n3A_1117 = arith.select %gt3A_1111, %broadcast_in_dim3A_1104, %select_n3A_1101 : vector<16xi1>, vector<16xi32>
        %select_n3A_1118 = arith.select %gt3A_1111, %get3A_1110, %select_n3A_1102 : vector<16xi1>, vector<16xf32>
        %broadcast_in_dim3A_1119 = arith.constant 61 : i32
        %broadcast_in_dim3A_1120 = vector.broadcast %broadcast_in_dim3A_1119 : i32 to vector<16xi32>
        %mul3A_1121 = arith.constant 16 : i32
        %mul3A_1122 = arith.muli %scan3A_107, %mul3A_1121 : i32
        %get3A_1123 = arith.constant 61 : i32
        %get3A_1124 = arith.index_cast %get3A_1123 : i32 to index
        %get3A_1125 = arith.index_cast %mul3A_1122 : i32 to index
        %get3A_1126 = tpu.vector_load %arg6[%get3A_1124, %get3A_1125] {strides = array<i32>} : memref<64x256xf32, #tpu.memory_space<vmem>>, vector<16xf32>,
        %gt3A_1127 = arith.cmpf ogt, %get3A_1126, %select_n3A_1118 : vector<16xf32>
        %gt3A_1128 = arith.cmpf ogt, %get3A_1126, %select_n3A_1116 : vector<16xf32>
        %select_n3A_1129 = arith.select %gt3A_1128, %broadcast_in_dim3A_1120, %select_n3A_1114 : vector<16xi1>, vector<16xi32>
        %select_n3A_1130 = arith.select %gt3A_1127, %select_n3A_1117, %select_n3A_1129 : vector<16xi1>, vector<16xi32>
        %select_n3A_1131 = arith.select %gt3A_1128, %get3A_1126, %select_n3A_1116 : vector<16xi1>, vector<16xf32>
        %select_n3A_1132 = arith.select %gt3A_1127, %select_n3A_1118, %select_n3A_1131 : vector<16xi1>, vector<16xf32>
        %select_n3A_1133 = arith.select %gt3A_1127, %broadcast_in_dim3A_1120, %select_n3A_1117 : vector<16xi1>, vector<16xi32>
        %select_n3A_1134 = arith.select %gt3A_1127, %get3A_1126, %select_n3A_1118 : vector<16xi1>, vector<16xf32>
        %broadcast_in_dim3A_1135 = arith.constant 62 : i32
        %broadcast_in_dim3A_1136 = vector.broadcast %broadcast_in_dim3A_1135 : i32 to vector<16xi32>
        %mul3A_1137 = arith.constant 16 : i32
        %mul3A_1138 = arith.muli %scan3A_107, %mul3A_1137 : i32
        %get3A_1139 = arith.constant 62 : i32
        %get3A_1140 = arith.index_cast %get3A_1139 : i32 to index
        %get3A_1141 = arith.index_cast %mul3A_1138 : i32 to index
        %get3A_1142 = tpu.vector_load %arg6[%get3A_1140, %get3A_1141] {strides = array<i32>} : memref<64x256xf32, #tpu.memory_space<vmem>>, vector<16xf32>,
        %gt3A_1143 = arith.cmpf ogt, %get3A_1142, %select_n3A_1134 : vector<16xf32>
        %gt3A_1144 = arith.cmpf ogt, %get3A_1142, %select_n3A_1132 : vector<16xf32>
        %select_n3A_1145 = arith.select %gt3A_1144, %broadcast_in_dim3A_1136, %select_n3A_1130 : vector<16xi1>, vector<16xi32>
        %select_n3A_1146 = arith.select %gt3A_1143, %select_n3A_1133, %select_n3A_1145 : vector<16xi1>, vector<16xi32>
        %select_n3A_1147 = arith.select %gt3A_1144, %get3A_1142, %select_n3A_1132 : vector<16xi1>, vector<16xf32>
        %select_n3A_1148 = arith.select %gt3A_1143, %select_n3A_1134, %select_n3A_1147 : vector<16xi1>, vector<16xf32>
        %select_n3A_1149 = arith.select %gt3A_1143, %broadcast_in_dim3A_1136, %select_n3A_1133 : vector<16xi1>, vector<16xi32>
        %select_n3A_1150 = arith.select %gt3A_1143, %get3A_1142, %select_n3A_1134 : vector<16xi1>, vector<16xf32>
        %broadcast_in_dim3A_1151 = arith.constant 63 : i32
        %broadcast_in_dim3A_1152 = vector.broadcast %broadcast_in_dim3A_1151 : i32 to vector<16xi32>
        %mul3A_1153 = arith.constant 16 : i32
        %mul3A_1154 = arith.muli %scan3A_107, %mul3A_1153 : i32
        %get3A_1155 = arith.constant 63 : i32
        %get3A_1156 = arith.index_cast %get3A_1155 : i32 to index
        %get3A_1157 = arith.index_cast %mul3A_1154 : i32 to index
        %get3A_1158 = tpu.vector_load %arg6[%get3A_1156, %get3A_1157] {strides = array<i32>} : memref<64x256xf32, #tpu.memory_space<vmem>>, vector<16xf32>,
        %gt3A_1159 = arith.cmpf ogt, %get3A_1158, %select_n3A_1150 : vector<16xf32>
        %gt3A_1160 = arith.cmpf ogt, %get3A_1158, %select_n3A_1148 : vector<16xf32>
        %select_n3A_1161 = arith.select %gt3A_1160, %broadcast_in_dim3A_1152, %select_n3A_1146 : vector<16xi1>, vector<16xi32>
        %select_n3A_1162 = arith.select %gt3A_1159, %select_n3A_1149, %select_n3A_1161 : vector<16xi1>, vector<16xi32>
        %select_n3A_1163 = arith.select %gt3A_1160, %get3A_1158, %select_n3A_1148 : vector<16xi1>, vector<16xf32>
        %select_n3A_1164 = arith.select %gt3A_1159, %select_n3A_1150, %select_n3A_1163 : vector<16xi1>, vector<16xf32>
        %select_n3A_1165 = arith.select %gt3A_1159, %broadcast_in_dim3A_1152, %select_n3A_1149 : vector<16xi1>, vector<16xi32>
        %select_n3A_1166 = arith.select %gt3A_1159, %get3A_1158, %select_n3A_1150 : vector<16xi1>, vector<16xf32>
        %gt3A_1167 = arith.cmpf ogt, %select_n3A_374, %select_n3A_242 : vector<16xf32>
        %select_n3A_1168 = arith.select %gt3A_1167, %select_n3A_374, %select_n3A_242 : vector<16xi1>, vector<16xf32>
        %select_n3A_1169 = arith.select %gt3A_1167, %select_n3A_373, %select_n3A_241 : vector<16xi1>, vector<16xi32>
        %select_n3A_1170 = arith.select %gt3A_1167, %select_n3A_242, %select_n3A_374 : vector<16xi1>, vector<16xf32>
        %select_n3A_1171 = arith.select %gt3A_1167, %select_n3A_241, %select_n3A_373 : vector<16xi1>, vector<16xi32>
        %select_n3A_1172 = arith.select %gt3A_1167, %select_n3A_372, %select_n3A_240 : vector<16xi1>, vector<16xf32>
        %select_n3A_1173 = arith.select %gt3A_1167, %select_n3A_370, %select_n3A_238 : vector<16xi1>, vector<16xi32>
        %gt3A_1174 = arith.cmpf ogt, %select_n3A_1172, %select_n3A_1170 : vector<16xf32>
        %select_n3A_1175 = arith.select %gt3A_1174, %select_n3A_1172, %select_n3A_1170 : vector<16xi1>, vector<16xf32>
        %select_n3A_1176 = arith.select %gt3A_1174, %select_n3A_1173, %select_n3A_1171 : vector<16xi1>, vector<16xi32>
        %gt3A_1177 = arith.cmpf ogt, %select_n3A_506, %select_n3A_1168 : vector<16xf32>
        %select_n3A_1178 = arith.select %gt3A_1177, %select_n3A_506, %select_n3A_1168 : vector<16xi1>, vector<16xf32>
        %select_n3A_1179 = arith.select %gt3A_1177, %select_n3A_505, %select_n3A_1169 : vector<16xi1>, vector<16xi32>
        %select_n3A_1180 = arith.select %gt3A_1177, %select_n3A_1168, %select_n3A_506 : vector<16xi1>, vector<16xf32>
        %select_n3A_1181 = arith.select %gt3A_1177, %select_n3A_1169, %select_n3A_505 : vector<16xi1>, vector<16xi32>
        %select_n3A_1182 = arith.select %gt3A_1177, %select_n3A_504, %select_n3A_1175 : vector<16xi1>, vector<16xf32>
        %select_n3A_1183 = arith.select %gt3A_1177, %select_n3A_502, %select_n3A_1176 : vector<16xi1>, vector<16xi32>
        %gt3A_1184 = arith.cmpf ogt, %select_n3A_1182, %select_n3A_1180 : vector<16xf32>
        %select_n3A_1185 = arith.select %gt3A_1184, %select_n3A_1182, %select_n3A_1180 : vector<16xi1>, vector<16xf32>
        %select_n3A_1186 = arith.select %gt3A_1184, %select_n3A_1183, %select_n3A_1181 : vector<16xi1>, vector<16xi32>
        %gt3A_1187 = arith.cmpf ogt, %select_n3A_638, %select_n3A_1178 : vector<16xf32>
        %select_n3A_1188 = arith.select %gt3A_1187, %select_n3A_638, %select_n3A_1178 : vector<16xi1>, vector<16xf32>
        %select_n3A_1189 = arith.select %gt3A_1187, %select_n3A_637, %select_n3A_1179 : vector<16xi1>, vector<16xi32>
        %select_n3A_1190 = arith.select %gt3A_1187, %select_n3A_1178, %select_n3A_638 : vector<16xi1>, vector<16xf32>
        %select_n3A_1191 = arith.select %gt3A_1187, %select_n3A_1179, %select_n3A_637 : vector<16xi1>, vector<16xi32>
        %select_n3A_1192 = arith.select %gt3A_1187, %select_n3A_636, %select_n3A_1185 : vector<16xi1>, vector<16xf32>
        %select_n3A_1193 = arith.select %gt3A_1187, %select_n3A_634, %select_n3A_1186 : vector<16xi1>, vector<16xi32>
        %gt3A_1194 = arith.cmpf ogt, %select_n3A_1192, %select_n3A_1190 : vector<16xf32>
        %select_n3A_1195 = arith.select %gt3A_1194, %select_n3A_1192, %select_n3A_1190 : vector<16xi1>, vector<16xf32>
        %select_n3A_1196 = arith.select %gt3A_1194, %select_n3A_1193, %select_n3A_1191 : vector<16xi1>, vector<16xi32>
        %gt3A_1197 = arith.cmpf ogt, %select_n3A_770, %select_n3A_1188 : vector<16xf32>
        %select_n3A_1198 = arith.select %gt3A_1197, %select_n3A_770, %select_n3A_1188 : vector<16xi1>, vector<16xf32>
        %select_n3A_1199 = arith.select %gt3A_1197, %select_n3A_769, %select_n3A_1189 : vector<16xi1>, vector<16xi32>
        %select_n3A_1200 = arith.select %gt3A_1197, %select_n3A_1188, %select_n3A_770 : vector<16xi1>, vector<16xf32>
        %select_n3A_1201 = arith.select %gt3A_1197, %select_n3A_1189, %select_n3A_769 : vector<16xi1>, vector<16xi32>
        %select_n3A_1202 = arith.select %gt3A_1197, %select_n3A_768, %select_n3A_1195 : vector<16xi1>, vector<16xf32>
        %select_n3A_1203 = arith.select %gt3A_1197, %select_n3A_766, %select_n3A_1196 : vector<16xi1>, vector<16xi32>
        %gt3A_1204 = arith.cmpf ogt, %select_n3A_1202, %select_n3A_1200 : vector<16xf32>
        %select_n3A_1205 = arith.select %gt3A_1204, %select_n3A_1202, %select_n3A_1200 : vector<16xi1>, vector<16xf32>
        %select_n3A_1206 = arith.select %gt3A_1204, %select_n3A_1203, %select_n3A_1201 : vector<16xi1>, vector<16xi32>
        %gt3A_1207 = arith.cmpf ogt, %select_n3A_902, %select_n3A_1198 : vector<16xf32>
        %select_n3A_1208 = arith.select %gt3A_1207, %select_n3A_902, %select_n3A_1198 : vector<16xi1>, vector<16xf32>
        %select_n3A_1209 = arith.select %gt3A_1207, %select_n3A_901, %select_n3A_1199 : vector<16xi1>, vector<16xi32>
        %select_n3A_1210 = arith.select %gt3A_1207, %select_n3A_1198, %select_n3A_902 : vector<16xi1>, vector<16xf32>
        %select_n3A_1211 = arith.select %gt3A_1207, %select_n3A_1199, %select_n3A_901 : vector<16xi1>, vector<16xi32>
        %select_n3A_1212 = arith.select %gt3A_1207, %select_n3A_900, %select_n3A_1205 : vector<16xi1>, vector<16xf32>
        %select_n3A_1213 = arith.select %gt3A_1207, %select_n3A_898, %select_n3A_1206 : vector<16xi1>, vector<16xi32>
        %gt3A_1214 = arith.cmpf ogt, %select_n3A_1212, %select_n3A_1210 : vector<16xf32>
        %select_n3A_1215 = arith.select %gt3A_1214, %select_n3A_1212, %select_n3A_1210 : vector<16xi1>, vector<16xf32>
        %select_n3A_1216 = arith.select %gt3A_1214, %select_n3A_1213, %select_n3A_1211 : vector<16xi1>, vector<16xi32>
        %gt3A_1217 = arith.cmpf ogt, %select_n3A_1034, %select_n3A_1208 : vector<16xf32>
        %select_n3A_1218 = arith.select %gt3A_1217, %select_n3A_1034, %select_n3A_1208 : vector<16xi1>, vector<16xf32>
        %select_n3A_1219 = arith.select %gt3A_1217, %select_n3A_1033, %select_n3A_1209 : vector<16xi1>, vector<16xi32>
        %select_n3A_1220 = arith.select %gt3A_1217, %select_n3A_1208, %select_n3A_1034 : vector<16xi1>, vector<16xf32>
        %select_n3A_1221 = arith.select %gt3A_1217, %select_n3A_1209, %select_n3A_1033 : vector<16xi1>, vector<16xi32>
        %select_n3A_1222 = arith.select %gt3A_1217, %select_n3A_1032, %select_n3A_1215 : vector<16xi1>, vector<16xf32>
        %select_n3A_1223 = arith.select %gt3A_1217, %select_n3A_1030, %select_n3A_1216 : vector<16xi1>, vector<16xi32>
        %gt3A_1224 = arith.cmpf ogt, %select_n3A_1222, %select_n3A_1220 : vector<16xf32>
        %select_n3A_1225 = arith.select %gt3A_1224, %select_n3A_1222, %select_n3A_1220 : vector<16xi1>, vector<16xf32>
        %select_n3A_1226 = arith.select %gt3A_1224, %select_n3A_1223, %select_n3A_1221 : vector<16xi1>, vector<16xi32>
        %gt3A_1227 = arith.cmpf ogt, %select_n3A_1166, %select_n3A_1218 : vector<16xf32>
        %select_n3A_1228 = arith.select %gt3A_1227, %select_n3A_1166, %select_n3A_1218 : vector<16xi1>, vector<16xf32>
        %select_n3A_1229 = arith.select %gt3A_1227, %select_n3A_1165, %select_n3A_1219 : vector<16xi1>, vector<16xi32>
        %select_n3A_1230 = arith.select %gt3A_1227, %select_n3A_1218, %select_n3A_1166 : vector<16xi1>, vector<16xf32>
        %select_n3A_1231 = arith.select %gt3A_1227, %select_n3A_1219, %select_n3A_1165 : vector<16xi1>, vector<16xi32>
        %select_n3A_1232 = arith.select %gt3A_1227, %select_n3A_1164, %select_n3A_1225 : vector<16xi1>, vector<16xf32>
        %select_n3A_1233 = arith.select %gt3A_1227, %select_n3A_1162, %select_n3A_1226 : vector<16xi1>, vector<16xi32>
        %gt3A_1234 = arith.cmpf ogt, %select_n3A_1232, %select_n3A_1230 : vector<16xf32>
        %select_n3A_1235 = arith.select %gt3A_1234, %select_n3A_1232, %select_n3A_1230 : vector<16xi1>, vector<16xf32>
        %select_n3A_1236 = arith.select %gt3A_1234, %select_n3A_1233, %select_n3A_1231 : vector<16xi1>, vector<16xi32>
        tpu.vector_store_idx %arg7[%add3A_112, %select_n3A_1229], %broadcast_in_dim3A_37 : memref<256x64xf32, #tpu.memory_space<vmem>>[vector<16xi32>, vector<16xi32>], vector<16xf32>,
        tpu.vector_store_idx %arg7[%add3A_112, %select_n3A_1236], %broadcast_in_dim3A_37 : memref<256x64xf32, #tpu.memory_space<vmem>>[vector<16xi32>, vector<16xi32>], vector<16xf32>,
        %add3A_1237 = arith.addf %select_n3A_1228, %select_n3A_1235 : vector<16xf32>
        %div3A_1238 = arith.divf %select_n3A_1228, %add3A_1237 : vector<16xf32>
        tpu.vector_store_idx %arg8[%add3A_112, %select_n3A_1229], %div3A_1238 : memref<256x64xf32, #tpu.memory_space<vmem>>[vector<16xi32>, vector<16xi32>], vector<16xf32>,
        %div3A_1239 = arith.divf %select_n3A_1235, %add3A_1237 : vector<16xf32>
        tpu.vector_store_idx %arg8[%add3A_112, %select_n3A_1236], %div3A_1239 : memref<256x64xf32, #tpu.memory_space<vmem>>[vector<16xi32>, vector<16xi32>], vector<16xf32>,
        tpu.vector_store_idx %arg9[%add3A_112, %broadcast_in_dim3A_33], %select_n3A_1229 : memref<256x2xi32, #tpu.memory_space<vmem>>[vector<16xi32>, vector<16xi32>], vector<16xi32>,
        tpu.vector_store_idx %arg9[%add3A_112, %broadcast_in_dim3A_35], %select_n3A_1236 : memref<256x2xi32, #tpu.memory_space<vmem>>[vector<16xi32>, vector<16xi32>], vector<16xi32>,
        %scan3A_1240 = arith.constant 0 : i32
        scf.yield %scan3A_1240 : i32
      }
      %scan3A_64 = arith.constant 16 : i32
      %dma_start3A = arith.constant 0 : i32
      %dma_start3A_65 = tpu.memref_slice %arg3[%select_n3A, %add3A_57, %dma_start3A] : memref<4x8192x64xf32, #tpu.memory_space<hbm>> -> memref<1x256x64xf32, #tpu.memory_space<hbm>>
      %dma_start3A_66 = tpu.memref_squeeze %dma_start3A_65 : memref<1x256x64xf32, #tpu.memory_space<hbm>> -> memref<256x64xf32, #tpu.memory_space<hbm>>
      %dma_start3A_67 = arith.constant 0 : i32
      %dma_start3A_68 = tpu.memref_slice %arg3[%select_n3A, %add3A_57, %dma_start3A_67] : memref<4x8192x64xf32, #tpu.memory_space<hbm>> -> memref<1x256x64xf32, #tpu.memory_space<hbm>>
      %dma_start3A_69 = tpu.memref_squeeze %dma_start3A_68 : memref<1x256x64xf32, #tpu.memory_space<hbm>> -> memref<256x64xf32, #tpu.memory_space<hbm>>
      tpu.enqueue_dma source(%arg7 : memref<256x64xf32, #tpu.memory_space<vmem>>) target(%dma_start3A_69 : memref<256x64xf32, #tpu.memory_space<hbm>>) target_semaphore(%arg10 : memref<!tpu.dma_semaphore, #tpu.memory_space<semaphore_mem>>)
      %dma_start3A_70 = arith.constant 0 : i32
      %dma_start3A_71 = tpu.memref_slice %arg5[%select_n3A, %add3A_57, %dma_start3A_70] : memref<4x8192x64xf32, #tpu.memory_space<hbm>> -> memref<1x256x64xf32, #tpu.memory_space<hbm>>
      %dma_start3A_72 = tpu.memref_squeeze %dma_start3A_71 : memref<1x256x64xf32, #tpu.memory_space<hbm>> -> memref<256x64xf32, #tpu.memory_space<hbm>>
      %dma_start3A_73 = arith.constant 0 : i32
      %dma_start3A_74 = tpu.memref_slice %arg5[%select_n3A, %add3A_57, %dma_start3A_73] : memref<4x8192x64xf32, #tpu.memory_space<hbm>> -> memref<1x256x64xf32, #tpu.memory_space<hbm>>
      %dma_start3A_75 = tpu.memref_squeeze %dma_start3A_74 : memref<1x256x64xf32, #tpu.memory_space<hbm>> -> memref<256x64xf32, #tpu.memory_space<hbm>>
      tpu.enqueue_dma source(%arg8 : memref<256x64xf32, #tpu.memory_space<vmem>>) target(%dma_start3A_75 : memref<256x64xf32, #tpu.memory_space<hbm>>) target_semaphore(%arg10 : memref<!tpu.dma_semaphore, #tpu.memory_space<semaphore_mem>>)
      %dma_start3A_76 = arith.constant 0 : i32
      %dma_start3A_77 = tpu.memref_slice %arg4[%select_n3A, %add3A_57, %dma_start3A_76] : memref<4x8192x2xi32, #tpu.memory_space<hbm>> -> memref<1x256x2xi32, #tpu.memory_space<hbm>>
      %dma_start3A_78 = tpu.memref_squeeze %dma_start3A_77 : memref<1x256x2xi32, #tpu.memory_space<hbm>> -> memref<256x2xi32, #tpu.memory_space<hbm>>
      %dma_start3A_79 = arith.constant 0 : i32
      %dma_start3A_80 = tpu.memref_slice %arg4[%select_n3A, %add3A_57, %dma_start3A_79] : memref<4x8192x2xi32, #tpu.memory_space<hbm>> -> memref<1x256x2xi32, #tpu.memory_space<hbm>>
      %dma_start3A_81 = tpu.memref_squeeze %dma_start3A_80 : memref<1x256x2xi32, #tpu.memory_space<hbm>> -> memref<256x2xi32, #tpu.memory_space<hbm>>
      tpu.enqueue_dma source(%arg9 : memref<256x2xi32, #tpu.memory_space<vmem>>) target(%dma_start3A_81 : memref<256x2xi32, #tpu.memory_space<hbm>>) target_semaphore(%arg10 : memref<!tpu.dma_semaphore, #tpu.memory_space<semaphore_mem>>)
      %dma_wait3A = arith.constant 0 : i32
      %dma_wait3A_82 = tpu.memref_slice %arg3[%select_n3A, %add3A_57, %dma_wait3A] : memref<4x8192x64xf32, #tpu.memory_space<hbm>> -> memref<1x256x64xf32, #tpu.memory_space<hbm>>
      %dma_wait3A_83 = tpu.memref_squeeze %dma_wait3A_82 : memref<1x256x64xf32, #tpu.memory_space<hbm>> -> memref<256x64xf32, #tpu.memory_space<hbm>>
      %dma_wait3A_84 = arith.constant 0 : i32
      %dma_wait3A_85 = tpu.memref_slice %arg3[%select_n3A, %add3A_57, %dma_wait3A_84] : memref<4x8192x64xf32, #tpu.memory_space<hbm>> -> memref<1x256x64xf32, #tpu.memory_space<hbm>>
      %dma_wait3A_86 = tpu.memref_squeeze %dma_wait3A_85 : memref<1x256x64xf32, #tpu.memory_space<hbm>> -> memref<256x64xf32, #tpu.memory_space<hbm>>
      tpu.wait_dma2 semaphore(%arg10 : memref<!tpu.dma_semaphore, #tpu.memory_space<semaphore_mem>>) src(%arg7 : memref<256x64xf32, #tpu.memory_space<vmem>>) dst(%dma_wait3A_86 : memref<256x64xf32, #tpu.memory_space<hbm>>)
      %dma_wait3A_87 = arith.constant 0 : i32
      %dma_wait3A_88 = tpu.memref_slice %arg5[%select_n3A, %add3A_57, %dma_wait3A_87] : memref<4x8192x64xf32, #tpu.memory_space<hbm>> -> memref<1x256x64xf32, #tpu.memory_space<hbm>>
      %dma_wait3A_89 = tpu.memref_squeeze %dma_wait3A_88 : memref<1x256x64xf32, #tpu.memory_space<hbm>> -> memref<256x64xf32, #tpu.memory_space<hbm>>
      %dma_wait3A_90 = arith.constant 0 : i32
      %dma_wait3A_91 = tpu.memref_slice %arg5[%select_n3A, %add3A_57, %dma_wait3A_90] : memref<4x8192x64xf32, #tpu.memory_space<hbm>> -> memref<1x256x64xf32, #tpu.memory_space<hbm>>
      %dma_wait3A_92 = tpu.memref_squeeze %dma_wait3A_91 : memref<1x256x64xf32, #tpu.memory_space<hbm>> -> memref<256x64xf32, #tpu.memory_space<hbm>>
      tpu.wait_dma2 semaphore(%arg10 : memref<!tpu.dma_semaphore, #tpu.memory_space<semaphore_mem>>) src(%arg8 : memref<256x64xf32, #tpu.memory_space<vmem>>) dst(%dma_wait3A_92 : memref<256x64xf32, #tpu.memory_space<hbm>>)
      %dma_wait3A_93 = arith.constant 0 : i32
      %dma_wait3A_94 = tpu.memref_slice %arg4[%select_n3A, %add3A_57, %dma_wait3A_93] : memref<4x8192x2xi32, #tpu.memory_space<hbm>> -> memref<1x256x2xi32, #tpu.memory_space<hbm>>
      %dma_wait3A_95 = tpu.memref_squeeze %dma_wait3A_94 : memref<1x256x2xi32, #tpu.memory_space<hbm>> -> memref<256x2xi32, #tpu.memory_space<hbm>>
      %dma_wait3A_96 = arith.constant 0 : i32
      %dma_wait3A_97 = tpu.memref_slice %arg4[%select_n3A, %add3A_57, %dma_wait3A_96] : memref<4x8192x2xi32, #tpu.memory_space<hbm>> -> memref<1x256x2xi32, #tpu.memory_space<hbm>>
      %dma_wait3A_98 = tpu.memref_squeeze %dma_wait3A_97 : memref<1x256x2xi32, #tpu.memory_space<hbm>> -> memref<256x2xi32, #tpu.memory_space<hbm>>
      tpu.wait_dma2 semaphore(%arg10 : memref<!tpu.dma_semaphore, #tpu.memory_space<semaphore_mem>>) src(%arg9 : memref<256x2xi32, #tpu.memory_space<vmem>>) dst(%dma_wait3A_98 : memref<256x2xi32, #tpu.memory_space<hbm>>)
      %scan3A_99 = arith.constant 0 : i32
      %scan3A_100 = arith.constant 0 : i32
      %scan3A_101 = arith.constant 16 : i32
      %scan3A_102 = arith.addi %scan3A_100, %scan3A_101 : i32
      %scan3A_103 = arith.constant 1 : i32
      %scan3A_104 = scf.for %scan3A_107 = %scan3A_100 to %scan3A_102 step %scan3A_103 iter_args(%scan3A_108 = %scan3A_99) -> (i32)  : i32 {
        %mul3A_109 = arith.constant 16 : i32
        %mul3A_110 = arith.muli %scan3A_107, %mul3A_109 : i32
        %add3A_111 = vector.broadcast %mul3A_110 : i32 to vector<16xi32>
        %add3A_112 = arith.addi %add3A_111, %iota3A : vector<16xi32>
        %gather3A = tpu.vector_load_idx %arg9[%add3A_112, %broadcast_in_dim3A_33] : memref<256x2xi32, #tpu.memory_space<vmem>>[vector<16xi32>, vector<16xi32>], vector<16xi32>,
        %gather3A_113 = tpu.vector_load_idx %arg9[%add3A_112, %broadcast_in_dim3A_35] : memref<256x2xi32, #tpu.memory_space<vmem>>[vector<16xi32>, vector<16xi32>], vector<16xi32>,
        tpu.vector_store_idx %arg7[%add3A_112, %gather3A], %broadcast_in_dim3A_39 : memref<256x64xf32, #tpu.memory_space<vmem>>[vector<16xi32>, vector<16xi32>], vector<16xf32>,
        tpu.vector_store_idx %arg7[%add3A_112, %gather3A_113], %broadcast_in_dim3A_39 : memref<256x64xf32, #tpu.memory_space<vmem>>[vector<16xi32>, vector<16xi32>], vector<16xf32>,
        tpu.vector_store_idx %arg8[%add3A_112, %gather3A], %broadcast_in_dim3A_39 : memref<256x64xf32, #tpu.memory_space<vmem>>[vector<16xi32>, vector<16xi32>], vector<16xf32>,
        tpu.vector_store_idx %arg8[%add3A_112, %gather3A_113], %broadcast_in_dim3A_39 : memref<256x64xf32, #tpu.memory_space<vmem>>[vector<16xi32>, vector<16xi32>], vector<16xf32>,
        %scan3A_114 = arith.constant 0 : i32
        scf.yield %scan3A_114 : i32
      }
      %scan3A_105 = arith.constant 16 : i32
      %scan3A_106 = arith.constant 0 : i32
      scf.yield %scan3A_106 : i32
    }
    %scan3A_52 = arith.constant 4 : i32
    return
  }
}

module attributes {stable_mosaic.version = 14 : i64} {
  func.func @_softmax_body(%arg0: i32, %arg1: i32, %arg2: memref<1x4096x768xf32, #tpu.memory_space<vmem>>, %arg3: memref<64x768xf32, #tpu.memory_space<vmem>>, %arg4: memref<1x4096x64xf32, #tpu.memory_space<vmem>>, %arg5: memref<1x64x4096xf32, #tpu.memory_space<vmem>>) attributes {dimension_semantics = [#tpu.dimension_semantics<arbitrary>, #tpu.dimension_semantics<arbitrary>], iteration_bounds = array<i64: 4, 2>, scalar_prefetch = 0 : i64, scratch_operands = 0 : i64, tpu.core_type = #tpu.core_type<tc>, window_params = [{transform_indices = @transform_0, window_bounds = array<i64: 1, 4096, 768>}, {pipeline_mode = #tpu.pipeline_mode<synchronous>, transform_indices = @transform_1, window_bounds = array<i64: 64, 768>}, {transform_indices = @transform_2, window_bounds = array<i64: 1, 4096, 64>}, {transform_indices = @transform_3, window_bounds = array<i64: 1, 64, 4096>}]} {
    %get3A = arith.constant 0 : index
    %get3A_0 = arith.constant 0 : index
    %get3A_1 = arith.constant 0 : index
    %get3A_2 = vector.load %arg2[%get3A, %get3A_0, %get3A_1] : memref<1x4096x768xf32, #tpu.memory_space<vmem>>, vector<1x4096x768xf32>
    %get3A_3 = vector.shape_cast %get3A_2 : vector<1x4096x768xf32> to vector<4096x768xf32>
    %get3A_4 = arith.constant 0 : index
    %get3A_5 = arith.constant 0 : index
    %get3A_6 = vector.load %arg3[%get3A_4, %get3A_5] : memref<64x768xf32, #tpu.memory_space<vmem>>, vector<64x768xf32>
    %dot_general3A = arith.constant dense<0.000000e+00> : vector<4096x64xf32>
    %dot_general3A_7 = tpu.matmul %get3A_3, %get3A_6, %dot_general3A {dimension_numbers = #tpu.dot_dimension_numbers<[1], [1], [0], [0], [0, 0, 1, 0], [], []>, transpose_lhs_hint = false} : vector<4096x768xf32>, vector<64x768xf32>, vector<4096x64xf32> -> vector<4096x64xf32>
    %reduce_max3A = arith.constant dense<0xFF800000> : vector<4096xf32>
    %reduce_max3A_8 = vector.multi_reduction <maximumf>, %dot_general3A_7, %reduce_max3A [1] : vector<4096x64xf32> to vector<4096xf32>
    %broadcast_in_dim3A = vector.shape_cast %reduce_max3A_8 : vector<4096xf32> to vector<4096x1xf32>
    %sub3A = vector.broadcast %broadcast_in_dim3A : vector<4096x1xf32> to vector<4096x64xf32>
    %sub3A_9 = arith.subf %dot_general3A_7, %sub3A : vector<4096x64xf32>
    %exp3A = math.exp %sub3A_9 : vector<4096x64xf32>
    %reduce_sum3A = arith.constant dense<0.000000e+00> : vector<4096xf32>
    %reduce_sum3A_10 = vector.multi_reduction <add>, %exp3A, %reduce_sum3A [1] : vector<4096x64xf32> to vector<4096xf32>
    %broadcast_in_dim3A_11 = vector.shape_cast %reduce_sum3A_10 : vector<4096xf32> to vector<4096x1xf32>
    %div3A = arith.constant 1.000000e+00 : f32
    %div3A_12 = vector.broadcast %div3A : f32 to vector<4096x1xf32>
    %div3A_13 = arith.divf %div3A_12, %broadcast_in_dim3A_11 : vector<4096x1xf32>
    %mul3A = vector.broadcast %div3A_13 : vector<4096x1xf32> to vector<4096x64xf32>
    %mul3A_14 = arith.mulf %exp3A, %mul3A : vector<4096x64xf32>
    %swap3A = arith.constant 0 : index
    %swap3A_15 = arith.constant 0 : index
    %swap3A_16 = arith.constant 0 : index
    %swap3A_17 = vector.load %arg4[%swap3A, %swap3A_15, %swap3A_16] : memref<1x4096x64xf32, #tpu.memory_space<vmem>>, vector<1x4096x64xf32>
    %swap3A_18 = vector.shape_cast %swap3A_17 : vector<1x4096x64xf32> to vector<4096x64xf32>
    %swap3A_19 = vector.shape_cast %mul3A_14 : vector<4096x64xf32> to vector<1x4096x64xf32>
    tpu.vector_store %arg4[%swap3A, %swap3A_15, %swap3A_16], %swap3A_19 {strides = array<i32>} : memref<1x4096x64xf32, #tpu.memory_space<vmem>>, vector<1x4096x64xf32>,
    %transpose3A = tpu.transpose %mul3A_14, [1, 0] : vector<4096x64xf32> -> vector<64x4096xf32>
    %swap3A_20 = arith.constant 0 : index
    %swap3A_21 = arith.constant 0 : index
    %swap3A_22 = arith.constant 0 : index
    %swap3A_23 = vector.load %arg5[%swap3A_20, %swap3A_21, %swap3A_22] : memref<1x64x4096xf32, #tpu.memory_space<vmem>>, vector<1x64x4096xf32>
    %swap3A_24 = vector.shape_cast %swap3A_23 : vector<1x64x4096xf32> to vector<64x4096xf32>
    %swap3A_25 = vector.shape_cast %transpose3A : vector<64x4096xf32> to vector<1x64x4096xf32>
    tpu.vector_store %arg5[%swap3A_20, %swap3A_21, %swap3A_22], %swap3A_25 {strides = array<i32>} : memref<1x64x4096xf32, #tpu.memory_space<vmem>>, vector<1x64x4096xf32>,
    return
  }
  func.func @transform_0(%arg0: i32, %arg1: i32) -> (i32, i32, i32) {
    %c0_i32 = arith.constant 0 : i32
    %c0_i32_0 = arith.constant 0 : i32
    return %arg0, %arg1, %c0_i32 : i32, i32, i32
  }
  func.func @transform_1(%arg0: i32, %arg1: i32) -> (i32, i32) {
    %c0_i32 = arith.constant 0 : i32
    %c0_i32_0 = arith.constant 0 : i32
    %c0_i32_1 = arith.constant 0 : i32
    return %c0_i32, %c0_i32_0 : i32, i32
  }
  func.func @transform_2(%arg0: i32, %arg1: i32) -> (i32, i32, i32) {
    %c0_i32 = arith.constant 0 : i32
    %c0_i32_0 = arith.constant 0 : i32
    return %arg0, %arg1, %c0_i32 : i32, i32, i32
  }
  func.func @transform_3(%arg0: i32, %arg1: i32) -> (i32, i32, i32) {
    %c0_i32 = arith.constant 0 : i32
    %c0_i32_0 = arith.constant 0 : i32
    return %arg0, %c0_i32, %arg1 : i32, i32, i32
  }
}

</mosaic_0001>

<sc_bundles>
// kernel: kernel.4.cloned.1.call-start
scs
__scs_entry_jumppad:
0x0: {  	(pc) =	sbr.rel $0x88, $3  }
0x1: {  	(tag) =	ssettag $0x0;
	lr =	simm.s32 $0x1  }
0x2: {  	[smem:$0x3F9F] =	sst lr;
	_ =	strace $0xD0000000  }
0x3: {  	_ = 	snop  }
0x4: {  	_ = 	snop  }
0x5: {  	_ = 	snop  }
0x6: {  	_ = 	snop  }
0x7: {  	_ = 	snop  }
__scs_overlays_trampoline_lowered:
0x8: {  	[smem:$0x3FAE] =	sst s0  }
0x9: {  	[smem:$0x3FAF] =	sst s1  }
0xa: {  	[smem:$0x3FB0] =	sst s2  }
0xb: {  	[smem:$0x3FB1] =	sst s3  }
0xc: {  	[smem:$0x3FB2] =	sst s4  }
0xd: {  	[smem:$0x3FB3] =	sst s5  }
0xe: {  	[smem:$0x3FB4] =	sst s6  }
0xf: {  	[smem:$0x3FB5] =	sst s7  }
0x10: {  	[smem:$0x3FB6] =	sst s8  }
0x11: {  	[smem:$0x3FB7] =	sst s9;
	s0 =	simm.s32 @!p0 $0x0  }
0x12: {  	s1 =	sld [smem:$0x3F9D];
	s0 =	simm.s32 @p0 $0x1  }
0x13: {  	[smem:$0x3FB8] =	sst s0;
	s0 =	simm.s32 @!p1 $0x0  }
0x14: {  	s2 =	sld [smem:$0x3F9C];
	s0 =	simm.s32 @p1 $0x1  }
0x15: {  	[smem:$0x3FB9] =	sst s0;
	s0 =	simm.s32 @!p2 $0x0  }
0x16: {  	s3 =	sld [smem:$0x3FDB];
	s0 =	simm.s32 @p2 $0x1  }
0x17: {  	s4 =	simm.s32 $0x1BF5;
	[smem:$0x3FBB] =	sst s0  }
0x18: {  	s0 =	sld [smem:$0x3F9E];
	_ =	swait.ge [sflag:s4], $0x0  }
0x19: {  	s7 =	sld [smem:$0x3F9F]  }
0x1a: {  	s8 =	sadd.s32 $0xFFFFE003, lr  }
0x1b: {  	s9 =	sadd.s32 $0xFFFFFEF7, lr;
	s5 =	simm.s32 $0xFFFFFFFF;
	p2 =	slt.u32 s8, $0xFFFFF086  }
0x1c: {  	p1 =	slt.u32 s9, $0xF7A;
	s5 =	simm.s32 @!p2 $0x0  }
0x1d: {  	s5 =	simm.s32 @p1 $0x1;
	p0 =	seq.s32 s7, s2  }
0x1e: {  	s7 =	smul.u32 @!p0 $0xF7A, s2;
	p2 =	seq.s32 @!p0 s5, $0x0  }
0x1f: {  	s9 =	smul.u32 $0xF7A, s1;
	s8 =	simm.s32 @!p0 $0x1BF5;
	p2 =	por !p2, p0  }
0x20: {  	[sflag:s8] =	ssyncset.s32 @!p0 $0xFFFFF086;
	s6 =	sadd.s32 @!p0 s3, s7;
	s7 =	simm.s32 @!p0 $0x108  }
0x21: {  	s3 =	sadd.s32 s3, s9;
	s6 =	sadd.s32 @!p0 $0x88, s6;
	s7 =	simm.s32 @p2 $0x1082  }
0x22: {  	[simem:s7], [sflag:s8] =	dma.local @!p0 [hbm:s6], $0xF7A  }
0x23: {  	s9 =	sor.u32 $0xD0000000, s2;
	s6 =	simm.s32 $0x108;
	_ =	swait.ge @!p0 [sflag:s8], $0x0  }
0x24: {  	s3 =	sadd.s32 $0x88, s3;
	s6 =	simm.s32 @!p1 $0x1082;
	[sflag:s4] =	ssyncset.s32 $0xFFFFF086  }
0x25: {  	[simem:s6], [sflag:s4] =	dma.local [hbm:s3], $0xF7A  }
0x26: {  	[smem:$0x3F9F] =	sst s1;
	(tag) =	ssettag s2;
	_ =	strace s9  }
0x27: {  	s1 =	sld [smem:$0x3FAF]  }
0x28: {  	s2 =	sld [smem:$0x3FB0]  }
0x29: {  	s4 =	sld [smem:$0x3FB2]  }
0x2a: {  	p0 =	seq.s32 s5, $0x0;
	s5 =	sld [smem:$0x3FB3]  }
0x2b: {  	s6 =	sld [smem:$0x3FB4]  }
0x2c: {  	s7 =	sld [smem:$0x3FB5]  }
0x2d: {  	s3 =	simm.s32 $0x108;
	s8 =	sld [smem:$0x3FB6]  }
0x2e: {  	s3 =	simm.s32 @!p0 $0x1082;
	s9 =	sld [smem:$0x3FB7]  }
0x2f: {  	lr =	sadd.s32 s0, s3;
	s0 =	sld [smem:$0x3FAE]  }
0x30: {  	s3 =	sld [smem:$0x3FB1]  }
0x31: {  	[smem:$0x3FBA] =	sst s10  }
0x32: {  	s10 =	sld [smem:$0x3FB8];
	_ =	sdelay $0x3  }
0x33: {  	p0 =	seq.s32 s10, $0x1;
	s10 =	sld [smem:$0x3FBA];
	_ =	sdelay $0x3  }
0x34: {  	[smem:$0x3FBA] =	sst s10  }
0x35: {  	s10 =	sld [smem:$0x3FB9];
	_ =	sdelay $0x3  }
0x36: {  	p1 =	seq.s32 s10, $0x1;
	s10 =	sld [smem:$0x3FBA];
	_ =	sdelay $0x3  }
0x37: {  	[smem:$0x3FBA] =	sst s10  }
0x38: {  	s10 =	sld [smem:$0x3FBB]  }
0x39: {  	_ = 	snop;
	(pc) =	sbr.ind lr, $3  }
0x3a: {  	_ = 	snop  }
0x3b: {  	_ = 	snop  }
0x3c: {  	p2 =	seq.s32 s10, $0x1;
	s10 =	sld [smem:$0x3FBA]  }
0x3d: {  	_ =	shalt  }
0x3e: {  	_ =	shalt  }
0x3f: {  	_ =	shalt  }
0x40: {  	_ =	shalt  }
0x41: {  	_ =	shalt  }
0x42: {  	_ =	shalt  }
0x43: {  	_ =	shalt  }
0x44: {  	_ =	shalt  }
0x45: {  	_ =	shalt  }
0x46: {  	_ =	shalt  }
0x47: {  	_ =	shalt  }
0x48: {  	_ =	shalt  }
0x49: {  	_ =	shalt  }
0x4a: {  	_ =	shalt  }
0x4b: {  	_ =	shalt  }
0x4c: {  	_ =	shalt  }
0x4d: {  	_ =	shalt  }
0x4e: {  	_ =	shalt  }
0x4f: {  	_ =	shalt  }
0x50: {  	_ =	shalt  }
0x51: {  	_ =	shalt  }
0x52: {  	_ =	shalt  }
0x53: {  	_ =	shalt  }
0x54: {  	_ =	shalt  }
0x55: {  	_ =	shalt  }
0x56: {  	_ =	shalt  }
0x57: {  	_ =	shalt  }
0x58: {  	_ =	shalt  }
0x59: {  	_ =	shalt  }
0x5a: {  	_ =	shalt  }
0x5b: {  	_ =	shalt  }
0x5c: {  	_ =	shalt  }
0x5d: {  	_ =	shalt  }
0x5e: {  	_ =	shalt  }
0x5f: {  	_ =	shalt  }
0x60: {  	_ =	shalt  }
0x61: {  	_ =	shalt  }
0x62: {  	_ =	shalt  }
0x63: {  	_ =	shalt  }
0x64: {  	_ =	shalt  }
0x65: {  	_ =	shalt  }
0x66: {  	_ =	shalt  }
0x67: {  	_ =	shalt  }
0x68: {  	_ =	shalt  }
0x69: {  	_ =	shalt  }
0x6a: {  	_ =	shalt  }
0x6b: {  	_ =	shalt  }
0x6c: {  	_ =	shalt  }
0x6d: {  	_ =	shalt  }
0x6e: {  	_ =	shalt  }
0x6f: {  	_ =	shalt  }
0x70: {  	_ =	shalt  }
0x71: {  	_ =	shalt  }
0x72: {  	_ =	shalt  }
0x73: {  	_ =	shalt  }
0x74: {  	_ =	shalt  }
0x75: {  	_ =	shalt  }
0x76: {  	_ =	shalt  }
0x77: {  	_ =	shalt  }
0x78: {  	_ =	shalt  }
0x79: {  	_ =	shalt  }
0x7a: {  	_ =	shalt  }
0x7b: {  	_ =	shalt  }
0x7c: {  	_ =	shalt  }
0x7d: {  	_ =	shalt  }
0x7e: {  	_ =	shalt  }
0x7f: {  	_ =	shalt  }
0x80: {  	_ =	shalt  }
0x81: {  	_ =	shalt  }
0x82: {  	_ =	shalt  }
0x83: {  	_ =	shalt  }
0x84: {  	_ =	shalt  }
0x85: {  	_ =	shalt  }
0x86: {  	_ =	shalt  }
0x87: {  	_ =	shalt  }
.Lfunc_end0:
.L_simem_size_0:
called_computation_lowered:
.L_overlay_start_0:
0x88: {  	s2 =	sld [smem:$0x3FD9]  }
0x89: {  	s3 =	sld [smem:$0x3FFE];
	_ =	sdelay $0x1  }
0x8a: {  	s1 =	srdreg.scid  }
0x8b: {  	s0 =	sand.u32 $0x1, s1  }
0x8c: {  	s14 =	sshll.u32 s0, $0xA;
	s2 =	sadd.s32 s3, s2  }
0x8d: {  	s2 =	sadd.s32 s2, s14  }
0x8e: {  	[smem:$0x3FC6] =	sst s2  }
0x8f: {  	_ = 	snop  }
0x90: {  	s2 =	sld [smem:$0x3FD0];
	_ =	sdelay $0x2  }
0x91: {  	s15 =	simm.s32 $0xA;
	s4 =	simm.s32 $0x10  }
0x92: {  	[smem:s4], [sflag:s15] =	dma.local [hbm:s2], $0x1  }
0x93: {  	_ =	swait.eq [sflag:s15], $0x1  }
0x94: {  	[sflag:s15] =	ssyncset.done $0x0  }
0x95: {  	[sflag:s15] =	ssyncadd.s32 $0xFFFFFFFF  }
0x96: {  	s16 =	sld [smem:$0x12];
	(tm) =	ssettm $0x1  }
0x97: {  	s17 =	sld [smem:$0x3FFB];
	_ =	sdelay $0x3  }
0x98: {  	_ =	strace s17  }
0x99: {  	s3 =	sld [smem:$0x3FFC];
	_ =	sdelay $0x3  }
0x9a: {  	_ =	strace s3  }
0x9b: {  	s3 =	sld [smem:$0x3FFD];
	_ =	sdelay $0x3  }
0x9c: {  	_ =	strace s3  }
0x9d: {  	_ =	strace $0x8FFFFFFF  }
0x9e: {  	s18 =	sld [smem:$0x3FDB];
	_ =	sdelay $0x1  }
0x9f: {  	s19 =	simm.s32 $_scs_section_size  }
0xa0: {  	s5 =	simm.s32 $_size__tile_overlayer_lowered;
	s6 =	simm.s32 $_tile_overlayer_lowered  }
0xa1: {  	s22 =	simm.s32 $0x1BFF;
	s21 =	sshll.u32 s6, $0x1;
	s3 =	sadd.s32 s19, s18  }
0xa2: {  	s7 =	simm.s32 $0x0;
	s20 =	sshll.u32 s5, $0x1;
	s5 =	sadd.s32 s21, s3  }
0xa3: {  	[timem:s7], [sflag:s22] =	dma.local [hbm:s5], s20  }
0xa4: {  	_ =	swait.ge [sflag:s22], s20  }
0xa5: {  	s4 =	ssub.s32 $0x0, s20;
	[sflag:s22] =	ssyncset.done $0x0  }
0xa6: {  	[sflag:s22] =	ssyncadd.s32 s4;
	_ =	sdelay $0x1  }
0xa7: {  	s23 =	simm.s32 $0x1B8B  }
0xa8: {  	_ =	swait.ge [sflag:s23], $0x1  }
0xa9: {  	[sflag:s23] =	ssyncset.done $0x0  }
0xaa: {  	s25 =	simm.s32 $0x1B8E;
	s24 =	sld [smem:$0x3FFE];
	[sflag:s23] =	ssyncadd.s32 $0xFFFFFFFF  }
0xab: {  	s26 =	simm.s32 $execute0_lowered;
	[smem:$0x3FD2] =	sst s25  }
0xac: {  	s5 =	sshll.u32 s26, $0x1;
	_ =	strace $0x80000046;
	[dreg:$0x1] =	wrdreg $0xFFFFFFFF  }
0xad: {  	s28 =	simm.s32 $_size_execute0_lowered;
	s3 =	sadd.s32 s3, s5;
	[dreg:$0x0] =	wrdreg $0x0  }
0xae: {  	s5 =	sshll.u32 s28, $0x1;
	[dreg:$0x2] =	wrdreg s3  }
0xaf: {  	[dreg:$0x3] =	wrdreg s5  }
0xb0: {  	[dreg:$0x4] =	wrdreg $0xC0  }
0xb1: {  	_ =	task [dreg:s7], $0x5FFFF  }
0xb2: {  	[dreg:$0x1] =	wrdreg $0xFFFFFFFF  }
0xb3: {  	[dreg:$0x0] =	wrdreg $0x60  }
0xb4: {  	[dreg:$0x2] =	wrdreg s16  }
0xb5: {  	[dreg:$0x3] =	wrdreg s24  }
0xb6: {  	[dreg:$0x4] =	wrdreg $0x9  }
0xb7: {  	_ =	task.clear_ibuf [dreg:s7], $0x5FFFF;
	_ =	strace $0x90000046  }
0xb8: {  	s29 =	simm.s32 $0x9;
	_ =	strace $0x80000048  }
0xb9: {  	_ =	swait.ge [sflag:s29], $0x1  }
0xba: {  	[sflag:s29] =	ssyncadd.s32 $0xFFFFFFFF  }
0xbb: {  	_ =	strace $0x90000048  }
0xbc: {  	_ =	sfence  }
0xbd: {  	s30 =	sld [smem:$0x0];
	_ =	sdelay $0x2  }
0xbe: {  	s31 =	sshll.u32 s1, $0xD;
	s1 =	sshrl.u32 s1, $0x2  }
0xbf: {  	s3 =	sand.u32 $0x4000, s31;
	s1 =	sadd.s32 s1, s30  }
0xc0: {  	s0 =	sor.u32 s3, s0;
	s1 =	sshll.u32 s1, $0x11  }
0xc1: {  	s0 =	sor.u32 s1, s0  }
0xc2: {  	s0 =	sadd.s32 $0x8F2B, s0  }
0xc3: {  	[sflag:s0] =	ssyncadd.remote.s32 $0x1  }
0xc4: {  	_ =	sfence.sel $0xFFFF  }
0xc5: {  	[dreg:$0x0] =	wrdreg $0xFFFFFFFF;
	(pc) =	sbr.abs _section_cstart, $3  }
0xc6: {  	[dreg:$0x1] =	wrdreg $0xFFFFFFFF  }
0xc7: {  	_ =	task.clear_ibuf [dreg:s7], $0x2FFFF;
	_ =	strace $0x9FFFFFFF  }
0xc8: {  	(tm) =	ssettm $0x7FFFFFFF  }
0xc9: {  	_ =	shalt  }
tec
execute0_lowered:
.L_overlay_start_1:
0x0: {  	(tag) =	ssettag $0x1  }
0x1: {  	s8 =	rddreg [dreg:$0x0]  }
0x2: {  	s0 =	srdreg.scid;
	s5 =	rddreg [dreg:$0x1]  }
0x3: {  	s1 =	stileid.u32;
	s2 =	simm.s32 $0x0;
	s9 =	simm.s32 $0x1  }
0x4: {  	s12 =	simm.s32 $0x10000;
	s13 =	simm.s32 $0x2;
	s4 =	sand.u32 $0x1, s0  }
0x5: {  	s14 =	simm.s32 $0x4000;
	s15 =	simm.s32 $0xC000;
	s3 =	sshll.u32 s4, $0x4  }
0x6: {  	s16 =	simm.s32 $0x14000;
	s7 =	sand.u32 $0x7, s1;
	s6 =	sor.u32 s1, s3  }
0x7: {  	[smem:$0x7FF] =	sst s2;
	p1 =	sne.s32 s7, $0x0;
	p0 =	seq.s32 s6, $0x0  }
0x8: {  	s0 =	rddreg [dreg:$0x2];
	_ =	strace $0x80000047;
	p0 =	por !p1, !p0  }
0x9: {  	s10 =	ssub.s32 $0x2, s4;
	s4 =	sadd.s32 $0x102000, s5;
	p0 =	por !p0, !p0  }
0xa: {  	s7 =	sshll.u32 s7, $0xA;
	s6 =	sshrl.u32 s6, $0x3;
	s9 =	simm.s32 @!p0 $0x0  }
0xb: {  	s3 =	sadd.s32 $0x82000, s5;
	s11 =	sshrl.u32 s10, $0x1;
	s9 =	ssub.s32 s6, s9  }
0xc: {  	s5 =	sadd.s32 $0x182000, s5;
	s10 =	ssub.s32 s10, s11;
	s31 =	sshll.u32 s9, $0x10  }
0xd: {  	v0 =	vimm.f32 $0.0e+00;
	v2 =	vlaneseq.u32;
	s10 =	smax.u32 s10, $0x1;
	s6 =	simm.s32 $0x1;
	s11 =	sand.u32 $0x1FFF0000, s31  }
0xe: {  	v1 =	vimm.s32 $0x0;
	v3 =	vimm.f32 $1.000000000e+00;
	v2 =	vmul.u32 $0x80, v2;
	s9 =	sshll.u32 s9, $0x14;
	s8 =	sadd.s32 s8, s11;
	s11 =	simm.s32 $0x800  }
.LBB2_1:
0xf: {  	s18 =	simm.s32 $0x0;
	s17 =	simm.s32 $0x200  }
.LBB2_2:
0x10: {  	p0 =	sne.s32 s17, $0x1FE00;
	[tilespmem:s18+$0xC030] =	vst v0  }
0x11: {  	[tilespmem:s18+$0x4000] =	vst v0  }
0x12: {  	[tilespmem:s18+$0xC000] =	vst v0  }
.Ltmp0:
0x13: {  	[tilespmem:s18+$0x4010] =	vst v0;
	(pc) =	sbr.rel @p0 .LBB2_2-.Ltmp0, $4  }
0x14: {  	[tilespmem:s18+$0xC010] =	vst v0  }
0x15: {  	[tilespmem:s18+$0x4020] =	vst v0  }
0x16: {  	[tilespmem:s18+$0xC020] =	vst v0  }
0x17: {  	[tilespmem:s18+$0x4030] =	vst v0;
	s18 =	sshra.s32 s17, $0x2;
	s17 =	sadd.s32 $0x200, s17  }
0x18: {  	[tilespmem:s18+$0xC030] =	vst v0  }
0x19: {  	[tilespmem:s18+$0x4000] =	vst v0  }
0x1a: {  	[tilespmem:s18+$0xC000] =	vst v0  }
0x1b: {  	[tilespmem:s18+$0x4010] =	vst v0  }
0x1c: {  	[tilespmem:s18+$0xC010] =	vst v0  }
0x1d: {  	[tilespmem:s18+$0x4020] =	vst v0  }
0x1e: {  	[tilespmem:s18+$0xC020] =	vst v0  }
0x1f: {  	s17 =	simm.s32 $0x0;
	[tilespmem:s18+$0x4030] =	vst v0;
	s18 =	simm.s32 $0x0  }
.LBB2_4:
0x20: {  	s19 =	sshll.u32 s18, $0x8  }
0x21: {  	s19 =	sadd.s32 s7, s19  }
0x22: {  	s20 =	sadd.s32 s19, s8  }
0x23: {  	[tilespmem:s17], [sflag:$0x2] =	stream.strided.gather [hbm4b:s20+s11], $0x4000, s12, s11, $0x38;
	[tilespmem:$0x1C000] =	vst v63  }
0x24: {  	_ =	swait.ge [sflag:s13], $0x4000  }
0x25: {  	[sflag:s13] =	ssyncset.done $0x0  }
0x26: {  	s21 =	simm.s32 $0x0;
	s20 =	simm.s32 $0x0;
	[sflag:s13] =	ssyncadd.s32 $0xFFFFC000  }
.LBB2_5:
0x27: {  	s22 =	sand.u32 $0x70, s21;
	s23 =	sand.u32 $0x400, s20  }
0x28: {  	s22 =	sor.u32 s22, s23  }
0x29: {  	v4 =	vld [tilespmem:s22+$0x0];
	_ =	sdelay $0x1  }
0x2a: {  	v5 =	vld [tilespmem:s22+$0x80]  }
0x2b: {  	v11 =	vld [tilespmem:s22+$0x800];
	_ =	sdelay $0x1  }
0x2c: {  	v6 =	vld [tilespmem:s22+$0x100];
	vm0 =	vgt.f32 v4, $-1.000000000e+00  }
0x2d: {  	v4 =	vnsel vm0, $0xBF800000, v4  }
0x2e: {  	vm1 =	vgt.f32 v5, $-1.000000000e+00;
	vm0 =	vgt.f32 v5, v4  }
0x2f: {  	v8 =	vld [tilespmem:s22+$0x180];
	vm11 =	vgt.f32 v11, $-1.000000000e+00;
	v7 =	vnsel vm1, $0xBF800000, v5;
	vm2 =	vmneg vm0  }
0x30: {  	v60 =	vld [tilespmem:s22+$0x880];
	v11 =	vnsel vm11, $0xBF800000, v11;
	v7 =	vsel vm2, v7, v4  }
0x31: {  	v27 =	vld [tilespmem:s22+$0x1080];
	v4 =	vsel vm2, v4, v5;
	vm1 =	vmand vm1, vm2;
	vm3 =	vgt.f32 v6, v7  }
0x32: {  	vm12 =	vgt.f32 v6, v4;
	v9 =	vsel vm1, $0x1, v1;
	v5 =	vsel vm3, v6, v7  }
0x33: {  	v10 =	vsel vm0, $0x1, v1;
	v56 =	vsel vm3, $0x2, v9;
	v5 =	vsel vm12, v4, v5  }
0x34: {  	v55 =	vld [tilespmem:s22+$0x200];
	v4 =	vsel vm12, v6, v4;
	v6 =	vsel vm12, v10, v56;
	v10 =	vsel vm12, $0x2, v10  }
0x35: {  	v12 =	vld [tilespmem:s22+$0x900];
	vm12 =	vgt.f32 v60, $-1.000000000e+00;
	vm13 =	vgt.f32 v8, v5;
	vm14 =	vgt.f32 v8, v4  }
0x36: {  	v13 =	vsel vm12, $0x9, v1;
	v14 =	vnsel vm12, $0xBF800000, v60;
	vm12 =	vgt.f32 v27, $-1.000000000e+00  }
0x37: {  	v5 =	vsel vm13, v8, v5;
	v6 =	vsel vm13, $0x3, v6;
	vm13 =	vgt.f32 v60, v11  }
0x38: {  	v5 =	vsel vm14, v4, v5;
	v4 =	vsel vm14, v8, v4;
	v6 =	vsel vm14, v10, v6  }
0x39: {  	v57 =	vld [tilespmem:s22+$0x280];
	v10 =	vsel vm14, $0x3, v10;
	v14 =	vsel vm13, v11, v14;
	v9 =	vsel vm13, v60, v11  }
0x3a: {  	v15 =	vld [tilespmem:s22+$0x980];
	vm15 =	vgt.f32 v55, v5;
	vm4 =	vgt.f32 v55, v4;
	vm14 =	vgt.f32 v12, v14  }
0x3b: {  	vm3 =	vgt.f32 v12, v9;
	v5 =	vsel vm15, v55, v5;
	v6 =	vsel vm15, $0x4, v6  }
0x3c: {  	v58 =	vld [tilespmem:s22+$0x300];
	v62 =	vsel vm14, v12, v14;
	v5 =	vsel vm4, v4, v5;
	v4 =	vsel vm4, v55, v4  }
0x3d: {  	s31 =	sor.u32 s20, s21;
	v6 =	vsel vm4, v10, v6;
	v10 =	vsel vm4, $0x4, v10;
	v18 =	vsel vm3, v9, v62  }
0x3e: {  	s23 =	sor.u32 $0x380, s31;
	v9 =	vsel vm3, v12, v9;
	vm5 =	vgt.f32 v57, v5;
	vm6 =	vgt.f32 v57, v4  }
0x3f: {  	v59 =	vld [tilespmem:s23+$0x0];
	vm15 =	vgt.f32 v15, v18;
	v5 =	vsel vm5, v57, v5;
	v6 =	vsel vm5, $0x5, v6  }
0x40: {  	v26 =	vld [tilespmem:s22+$0x1000];
	v11 =	vsel vm15, v15, v18;
	v18 =	vnsel vm12, $0xBF800000, v27;
	v5 =	vsel vm6, v4, v5  }
0x41: {  	v6 =	vsel vm6, v10, v6;
	v4 =	vsel vm6, v57, v4;
	vm7 =	vgt.f32 v58, v5  }
0x42: {  	v47 =	vld [tilespmem:s22+$0x1880];
	v10 =	vsel vm6, $0x5, v10;
	vm8 =	vgt.f32 v58, v4;
	v6 =	vsel vm7, $0x6, v6  }
0x43: {  	v5 =	vsel vm7, v58, v5;
	v8 =	vsel vm8, v58, v4;
	v6 =	vsel vm8, v10, v6  }
0x44: {  	v5 =	vsel vm8, v4, v5;
	v10 =	vsel vm8, $0x6, v10;
	vm9 =	vgt.f32 v59, v8  }
0x45: {  	v4 =	vsel vm11, $0x8, v1;
	vm11 =	vgt.f32 v26, $-1.000000000e+00;
	vm10 =	vgt.f32 v59, v5  }
0x46: {  	v13 =	vsel vm13, v4, v13;
	v16 =	vsel vm13, $0x9, v4;
	v33 =	vsel vm11, $0x10, v1  }
0x47: {  	v14 =	vnsel vm11, $0xBF800000, v26;
	vm11 =	vgt.f32 v47, $-1.000000000e+00;
	v6 =	vsel vm10, $0x7, v6  }
0x48: {  	v32 =	vld [tilespmem:s22+$0x1100];
	v61 =	vsel vm14, $0xA, v13;
	v19 =	vsel vm3, $0xA, v16;
	v5 =	vsel vm10, v59, v5  }
0x49: {  	v63 =	vld [tilespmem:s22+$0xA00];
	vm13 =	vgt.f32 v27, v14;
	v51 =	vnsel vm11, $0xBF800000, v47;
	v4 =	vsel vm9, v10, v6  }
0x4a: {  	v17 =	vsel vm3, v16, v61;
	vm3 =	vgt.f32 v15, v9;
	v18 =	vsel vm13, v14, v18  }
0x4b: {  	v16 =	vsel vm13, $0x11, v33;
	v12 =	vsel vm13, v27, v14;
	v6 =	vsel vm15, $0xB, v17  }
0x4c: {  	v11 =	vsel vm3, v9, v11;
	v13 =	vsel vm3, $0xB, v19;
	v9 =	vsel vm3, v15, v9  }
0x4d: {  	v17 =	vsel vm12, $0x11, v1;
	vm14 =	vgt.f32 v32, v18;
	v6 =	vsel vm3, v19, v6  }
0x4e: {  	v20 =	vld [tilespmem:s22+$0xA80];
	vm5 =	vgt.f32 v63, v11;
	vm6 =	vgt.f32 v63, v9;
	v17 =	vsel vm13, v33, v17  }
0x4f: {  	vm3 =	vgt.f32 v32, v12;
	v35 =	vsel vm14, v32, v18;
	v21 =	vsel vm5, $0xC, v6  }
0x50: {  	v11 =	vsel vm5, v63, v11;
	v6 =	vsel vm9, v8, v5;
	v8 =	vsel vm9, v59, v8  }
0x51: {  	v19 =	vld [tilespmem:s22+$0x1180];
	v34 =	vsel vm14, $0x12, v17;
	v17 =	vsel vm3, v12, v35;
	v5 =	vsel vm6, v13, v21  }
0x52: {  	v22 =	vld [tilespmem:s22+$0xB00];
	v11 =	vsel vm6, v9, v11;
	v13 =	vsel vm6, $0xC, v13;
	v9 =	vsel vm6, v63, v9  }
0x53: {  	v14 =	vsel vm3, v16, v34;
	v16 =	vsel vm3, $0x12, v16;
	vm7 =	vgt.f32 v20, v11  }
0x54: {  	vm2 =	vgt.f32 v20, v9;
	v23 =	vsel vm7, $0xD, v5;
	v11 =	vsel vm7, v20, v11  }
0x55: {  	v5 =	vsel vm9, $0x7, v10;
	v25 =	vsel vm2, v13, v23;
	v11 =	vsel vm2, v9, v11  }
0x56: {  	v24 =	vld [tilespmem:s22+$0xB80];
	v13 =	vsel vm2, $0xD, v13;
	v9 =	vsel vm2, v20, v9;
	vm15 =	vgt.f32 v19, v17  }
0x57: {  	v23 =	vsel vm11, $0x19, v1;
	vm8 =	vgt.f32 v22, v11;
	vm2 =	vgt.f32 v22, v9  }
0x58: {  	v37 =	vsel vm15, $0x13, v14;
	v38 =	vsel vm15, v19, v17;
	v10 =	vsel vm8, $0xE, v25  }
0x59: {  	v21 =	vld [tilespmem:s22+$0x1800];
	v11 =	vsel vm8, v22, v11;
	v30 =	vsel vm2, $0xE, v13;
	v31 =	vsel vm2, v22, v9  }
0x5a: {  	v36 =	vld [tilespmem:s22+$0x1200];
	v28 =	vsel vm2, v13, v10;
	v29 =	vsel vm2, v9, v11;
	v9 =	vsel vm3, v32, v12  }
0x5b: {  	vm10 =	vgt.f32 v24, v31;
	vm9 =	vgt.f32 v24, v29;
	vm4 =	vgt.f32 v19, v9  }
0x5c: {  	v7 =	vsel vm9, $0xF, v28;
	v10 =	vsel vm9, v24, v29;
	v12 =	vsel vm4, v16, v37  }
0x5d: {  	v14 =	vsel vm4, v9, v38;
	v16 =	vsel vm4, $0x13, v16;
	v19 =	vsel vm4, v19, v9  }
0x5e: {  	v39 =	vld [tilespmem:s22+$0x1280];
	v9 =	vsel vm10, $0xF, v30;
	vm9 =	vgt.f32 v21, $-1.000000000e+00;
	v7 =	vsel vm10, v30, v7  }
0x5f: {  	v10 =	vsel vm10, v31, v10;
	vm5 =	vgt.f32 v36, v14;
	vm2 =	vgt.f32 v36, v19  }
0x60: {  	v50 =	vnsel vm9, $0xBF800000, v21;
	v22 =	vsel vm9, $0x18, v1;
	v12 =	vsel vm5, $0x14, v12  }
0x61: {  	v48 =	vld [tilespmem:s22+$0x1900];
	v14 =	vsel vm5, v36, v14;
	v42 =	vsel vm2, $0x14, v16;
	v43 =	vsel vm2, v36, v19  }
0x62: {  	v20 =	vld [tilespmem:s22+$0x1300];
	vm4 =	vgt.f32 v47, v50;
	v40 =	vsel vm2, v16, v12;
	v41 =	vsel vm2, v19, v14  }
0x63: {  	vm2 =	vgt.f32 v39, v43;
	v12 =	vsel vm10, v24, v31;
	v15 =	vsel vm4, v47, v50  }
0x64: {  	v53 =	vsel vm4, v22, v23;
	v22 =	vsel vm4, $0x19, v22;
	vm6 =	vgt.f32 v39, v41  }
0x65: {  	v44 =	vld [tilespmem:s22+$0x1380];
	v14 =	vsel vm2, $0x15, v42;
	v16 =	vsel vm2, v39, v43;
	v45 =	vsel vm6, v39, v41  }
0x66: {  	vm13 =	vgt.f32 v48, v15;
	v11 =	vsel vm6, $0x15, v40;
	v46 =	vsel vm2, v43, v45  }
0x67: {  	vm8 =	vgt.f32 v20, v16;
	v11 =	vsel vm2, v42, v11;
	vm7 =	vgt.f32 v20, v46  }
0x68: {  	v57 =	vsel vm13, $0x1A, v22;
	v11 =	vsel vm7, $0x16, v11;
	v13 =	vsel vm7, v20, v46  }
0x69: {  	v52 =	vld [tilespmem:s22+$0x1980];
	v49 =	vsel vm8, $0x16, v14;
	v11 =	vsel vm8, v14, v11;
	v13 =	vsel vm8, v16, v13  }
0x6a: {  	v60 =	vld [tilespmem:s22+$0x2000];
	v16 =	vsel vm8, v20, v16;
	v20 =	vsel vm4, v50, v51;
	vm10 =	vgt.f32 v44, v13  }
0x6b: {  	vm0 =	vgt.f32 v44, v16;
	vm12 =	vgt.f32 v48, v20;
	v11 =	vsel vm10, $0x17, v11  }
0x6c: {  	v61 =	vld [tilespmem:s22+$0x2080];
	v13 =	vsel vm10, v44, v13;
	v20 =	vsel vm12, v48, v20;
	v54 =	vsel vm12, $0x1A, v53  }
0x6d: {  	v11 =	vsel vm0, v49, v11;
	v14 =	vsel vm0, v16, v13;
	v20 =	vsel vm13, v15, v20  }
0x6e: {  	v24 =	vld [tilespmem:s22+$0x1A00];
	v15 =	vsel vm13, v48, v15;
	v13 =	vsel vm0, $0x17, v49;
	v17 =	vsel vm13, v22, v54  }
0x6f: {  	v46 =	vld [tilespmem:s22+$0x2800];
	v16 =	vsel vm0, v44, v16;
	vm13 =	vgt.f32 v60, $-1.000000000e+00;
	vm14 =	vgt.f32 v52, v20  }
0x70: {  	vm15 =	vgt.f32 v52, v15;
	v30 =	vsel vm13, $0x20, v1;
	v20 =	vsel vm14, v52, v20  }
0x71: {  	v17 =	vsel vm14, $0x1B, v17;
	vm14 =	vgt.f32 v61, $-1.000000000e+00;
	v56 =	vsel vm15, v15, v20  }
0x72: {  	v55 =	vld [tilespmem:s22+$0x1A80];
	v15 =	vsel vm15, v52, v15;
	v17 =	vsel vm15, v57, v17;
	v20 =	vsel vm15, $0x1B, v57  }
0x73: {  	v25 =	vsel vm14, $0x21, v1;
	v26 =	vnsel vm14, $0xBF800000, v61;
	vm6 =	vgt.f32 v24, v56  }
0x74: {  	vm14 =	vgt.f32 v46, $-1.000000000e+00;
	vm7 =	vgt.f32 v24, v15;
	v19 =	vsel vm6, v24, v56  }
0x75: {  	v47 =	vld [tilespmem:s22+$0x2880];
	v52 =	vsel vm14, $0x28, v1;
	v17 =	vsel vm6, $0x1C, v17;
	v19 =	vsel vm7, v15, v19  }
0x76: {  	v15 =	vsel vm7, v24, v15;
	v17 =	vsel vm7, v20, v17;
	v20 =	vsel vm7, $0x1C, v20  }
0x77: {  	v63 =	vld [tilespmem:s22+$0x2100];
	v24 =	vnsel vm13, $0xBF800000, v60;
	vm8 =	vgt.f32 v55, v19;
	vm9 =	vgt.f32 v55, v15  }
0x78: {  	v58 =	vld [tilespmem:s22+$0x1B00];
	vm15 =	vgt.f32 v61, v24;
	v19 =	vsel vm8, v55, v19;
	v17 =	vsel vm8, $0x1D, v17  }
0x79: {  	v25 =	vsel vm15, v30, v25;
	v26 =	vsel vm15, v24, v26;
	v28 =	vsel vm15, $0x21, v30  }
0x7a: {  	v23 =	vsel vm15, v61, v24;
	vm15 =	vgt.f32 v47, $-1.000000000e+00;
	v19 =	vsel vm9, v15, v19  }
0x7b: {  	v17 =	vsel vm9, v20, v17;
	v15 =	vsel vm9, v55, v15;
	v20 =	vsel vm9, $0x1D, v20  }
0x7c: {  	vm6 =	vgt.f32 v63, v26;
	vm3 =	vgt.f32 v63, v23;
	v53 =	vsel vm15, $0x29, v1  }
0x7d: {  	v59 =	vld [tilespmem:s22+$0x1B80];
	v30 =	vnsel vm15, $0xBF800000, v47;
	vm10 =	vgt.f32 v58, v19;
	vm11 =	vgt.f32 v58, v15  }
0x7e: {  	v27 =	vld [tilespmem:s22+$0x2180];
	v31 =	vsel vm6, $0x22, v25;
	v32 =	vsel vm6, v63, v26;
	v36 =	vsel vm3, $0x22, v28  }
0x7f: {  	v26 =	vnsel vm14, $0xBF800000, v46;
	v17 =	vsel vm10, $0x1E, v17;
	v62 =	vsel vm10, v58, v19  }
0x80: {  	v21 =	vsel vm11, v58, v15;
	v34 =	vsel vm3, v28, v31;
	v35 =	vsel vm3, v23, v32  }
0x81: {  	v33 =	vld [tilespmem:s22+$0x2200];
	v19 =	vsel vm3, v63, v23;
	vm6 =	vgt.f32 v47, v26;
	v17 =	vsel vm11, v20, v17  }
0x82: {  	v18 =	vsel vm11, v15, v62;
	v20 =	vsel vm11, $0x1E, v20;
	vm0 =	vgt.f32 v59, v21  }
0x83: {  	v50 =	vld [tilespmem:s22+$0x2900];
	vm7 =	vgt.f32 v27, v35;
	vm3 =	vgt.f32 v27, v19;
	v30 =	vsel vm6, v26, v30  }
0x84: {  	v38 =	vld [tilespmem:s22+$0x2280];
	vm12 =	vgt.f32 v59, v18;
	v37 =	vsel vm7, v27, v35;
	v25 =	vsel vm3, $0x23, v36  }
0x85: {  	v27 =	vsel vm3, v27, v19;
	v17 =	vsel vm12, $0x1F, v17;
	v18 =	vsel vm12, v59, v18  }
0x86: {  	v23 =	vsel vm3, v19, v37;
	vm9 =	vgt.f32 v33, v27;
	v15 =	vsel vm0, v20, v17  }
0x87: {  	v17 =	vsel vm7, $0x23, v34;
	vm8 =	vgt.f32 v33, v23;
	v19 =	vsel vm0, v21, v18  }
0x88: {  	v41 =	vsel vm9, $0x24, v25;
	v42 =	vsel vm9, v33, v27;
	vm7 =	vgt.f32 v50, v30  }
0x89: {  	v39 =	vld [tilespmem:s22+$0x2300];
	v17 =	vsel vm3, v36, v17;
	v23 =	vsel vm8, v33, v23;
	vm2 =	vgt.f32 v38, v42  }
0x8a: {  	v55 =	vsel vm7, v50, v30;
	v17 =	vsel vm8, $0x24, v17;
	v40 =	vsel vm9, v27, v23  }
0x8b: {  	v23 =	vsel vm2, $0x25, v41;
	v24 =	vsel vm2, v38, v42;
	vm10 =	vgt.f32 v38, v40  }
0x8c: {  	v17 =	vsel vm9, v25, v17;
	v25 =	vsel vm6, v47, v26;
	v18 =	vsel vm10, v38, v40  }
0x8d: {  	v44 =	vld [tilespmem:s22+$0x2380];
	v43 =	vsel vm10, $0x25, v17;
	v17 =	vsel vm0, $0x1F, v20;
	v18 =	vsel vm2, v42, v18  }
0x8e: {  	v20 =	vsel vm0, v59, v21;
	v45 =	vsel vm2, v41, v43;
	vm11 =	vgt.f32 v39, v18  }
0x8f: {  	v21 =	vsel vm6, $0x29, v52;
	vm2 =	vgt.f32 v39, v24;
	v29 =	vsel vm11, $0x26, v45  }
0x90: {  	v31 =	vld [tilespmem:s22+$0x2980];
	vm3 =	vgt.f32 v50, v25;
	v18 =	vsel vm11, v39, v18;
	v48 =	vsel vm2, v23, v29  }
0x91: {  	v49 =	vsel vm2, v24, v18;
	v23 =	vsel vm2, $0x26, v23;
	v24 =	vsel vm2, v39, v24  }
0x92: {  	v29 =	vsel vm6, v52, v53;
	vm12 =	vgt.f32 v44, v49;
	vm13 =	vgt.f32 v44, v24  }
0x93: {  	v40 =	vld [tilespmem:s22+$0x3080];
	v54 =	vsel vm7, $0x2A, v29;
	v29 =	vsel vm3, v25, v55;
	v25 =	vsel vm3, v50, v25  }
0x94: {  	v51 =	vsel vm12, $0x27, v48;
	v22 =	vsel vm12, v44, v49;
	v26 =	vsel vm3, v21, v54  }
0x95: {  	v56 =	vld [tilespmem:s22+$0x2A00];
	v21 =	vsel vm3, $0x2A, v21;
	vm8 =	vgt.f32 v31, v29;
	vm9 =	vgt.f32 v31, v25  }
0x96: {  	v39 =	vld [tilespmem:s22+$0x3000];
	v18 =	vsel vm13, v23, v51;
	v26 =	vsel vm8, $0x2B, v26;
	v57 =	vsel vm8, v31, v29  }
0x97: {  	v22 =	vsel vm13, v24, v22;
	v32 =	vsel vm9, $0x2B, v21;
	v24 =	vsel vm13, v44, v24  }
0x98: {  	vm8 =	vgt.f32 v40, $-1.000000000e+00;
	v26 =	vsel vm9, v21, v26;
	v28 =	vsel vm9, v25, v57  }
0x99: {  	v58 =	vld [tilespmem:s22+$0x2A80];
	v25 =	vsel vm9, v31, v25;
	v21 =	vsel vm13, $0x27, v23;
	v43 =	vnsel vm8, $0xBF800000, v40  }
0x9a: {  	v44 =	vsel vm8, $0x31, v1;
	vm10 =	vgt.f32 v56, v28;
	vm2 =	vgt.f32 v56, v25  }
0x9b: {  	vm14 =	vgt.f32 v39, $-1.000000000e+00;
	v26 =	vsel vm10, $0x2C, v26;
	v28 =	vsel vm10, v56, v28  }
0x9c: {  	v41 =	vld [tilespmem:s22+$0x3100];
	v62 =	vsel vm2, $0x2C, v32;
	v42 =	vnsel vm14, $0xBF800000, v39;
	v34 =	vsel vm14, $0x30, v1  }
0x9d: {  	v60 =	vsel vm2, v32, v26;
	v61 =	vsel vm2, v25, v28;
	v25 =	vsel vm2, v56, v25  }
0x9e: {  	vm9 =	vgt.f32 v40, v42;
	vm11 =	vgt.f32 v58, v61;
	vm2 =	vgt.f32 v58, v25  }
0x9f: {  	v59 =	vld [tilespmem:s22+$0x2B00];
	v32 =	vsel vm9, v42, v43;
	v27 =	vsel vm9, v40, v42;
	v31 =	vsel vm9, v34, v44  }
0xa0: {  	v50 =	vld [tilespmem:s22+$0x3800];
	v34 =	vsel vm9, $0x31, v34;
	v23 =	vsel vm11, $0x2D, v60;
	v26 =	vsel vm11, v58, v61  }
0xa1: {  	v28 =	vsel vm2, $0x2D, v62;
	vm10 =	vgt.f32 v41, v32;
	vm11 =	vgt.f32 v41, v27  }
0xa2: {  	v33 =	vld [tilespmem:s22+$0x3180];
	v23 =	vsel vm2, v62, v23;
	v26 =	vsel vm2, v25, v26;
	v25 =	vsel vm2, v58, v25  }
0xa3: {  	v32 =	vsel vm10, v41, v32;
	v31 =	vsel vm10, $0x32, v31;
	v47 =	vsel vm11, $0x32, v34  }
0xa4: {  	v63 =	vld [tilespmem:s22+$0x2B80];
	vm12 =	vgt.f32 v59, v26;
	vm13 =	vgt.f32 v59, v25;
	v32 =	vsel vm11, v27, v32  }
0xa5: {  	v27 =	vsel vm11, v41, v27;
	v45 =	vsel vm11, v34, v31;
	vm11 =	vgt.f32 v50, $-1.000000000e+00  }
0xa6: {  	v23 =	vsel vm12, $0x2E, v23;
	v26 =	vsel vm12, v59, v26;
	v29 =	vsel vm13, v59, v25  }
0xa7: {  	v35 =	vld [tilespmem:s22+$0x3200];
	vm12 =	vgt.f32 v33, v32;
	v55 =	vnsel vm11, $0xBF800000, v50;
	v58 =	vsel vm11, $0x38, v1  }
0xa8: {  	v23 =	vsel vm13, v28, v23;
	v26 =	vsel vm13, v25, v26;
	v28 =	vsel vm13, $0x2E, v28  }
0xa9: {  	v51 =	vld [tilespmem:s22+$0x3880];
	vm0 =	vgt.f32 v63, v29;
	vm13 =	vgt.f32 v33, v27;
	v32 =	vsel vm12, v33, v32  }
0xaa: {  	vm15 =	vgt.f32 v63, v26;
	v25 =	vsel vm0, $0x2F, v28;
	v46 =	vsel vm13, v27, v32  }
0xab: {  	v27 =	vsel vm13, v33, v27;
	v32 =	vsel vm13, $0x33, v47;
	v23 =	vsel vm15, $0x2F, v23  }
0xac: {  	v36 =	vld [tilespmem:s22+$0x3280];
	v26 =	vsel vm15, v63, v26;
	vm14 =	vgt.f32 v35, v46;
	vm15 =	vgt.f32 v35, v27  }
0xad: {  	v23 =	vsel vm0, v28, v23;
	v26 =	vsel vm0, v29, v26;
	v28 =	vsel vm12, $0x33, v45  }
0xae: {  	v31 =	vsel vm14, v35, v46;
	v29 =	vsel vm0, v63, v29;
	vm12 =	vgt.f32 v51, $-1.000000000e+00  }
0xaf: {  	v54 =	vld [tilespmem:s22+$0x3900];
	v28 =	vsel vm13, v47, v28;
	v31 =	vsel vm15, v27, v31;
	v27 =	vsel vm15, v35, v27  }
0xb0: {  	vm13 =	vgt.f32 v51, v55;
	v56 =	vnsel vm12, $0xBF800000, v51;
	v59 =	vsel vm12, $0x39, v1  }
0xb1: {  	v28 =	vsel vm14, $0x34, v28;
	vm5 =	vgt.f32 v36, v31;
	vm6 =	vgt.f32 v36, v27  }
0xb2: {  	v48 =	vld [tilespmem:s22+$0x3300];
	v57 =	vsel vm13, v55, v56;
	v33 =	vsel vm13, v51, v55;
	v35 =	vsel vm13, $0x39, v58  }
0xb3: {  	v28 =	vsel vm15, v32, v28;
	v31 =	vsel vm5, v36, v31;
	v32 =	vsel vm15, $0x34, v32  }
0xb4: {  	v37 =	vld [tilespmem:s22+$0x3980];
	vm14 =	vgt.f32 v54, v57;
	vm15 =	vgt.f32 v54, v33;
	v28 =	vsel vm5, $0x35, v28  }
0xb5: {  	v31 =	vsel vm6, v27, v31;
	v27 =	vsel vm6, v36, v27;
	v34 =	vsel vm14, v54, v57  }
0xb6: {  	v36 =	vsel vm13, v58, v59;
	v57 =	vmov s21;
	v28 =	vsel vm6, v32, v28  }
0xb7: {  	v49 =	vld [tilespmem:s22+$0x3380];
	vm7 =	vgt.f32 v48, v31;
	v32 =	vsel vm6, $0x35, v32;
	vm8 =	vgt.f32 v48, v27  }
0xb8: {  	v34 =	vsel vm15, v33, v34;
	v60 =	vsel vm14, $0x3A, v36;
	v28 =	vsel vm7, $0x36, v28  }
0xb9: {  	v52 =	vsel vm7, v48, v31;
	v53 =	vsel vm8, $0x36, v32;
	vm6 =	vgt.f32 v37, v34  }
0xba: {  	v28 =	vsel vm8, v32, v28;
	v30 =	vsel vm8, v27, v52;
	v27 =	vsel vm8, v48, v27  }
0xbb: {  	v32 =	vsel vm15, v54, v33;
	v34 =	vsel vm6, v37, v34;
	v33 =	vsel vm15, v35, v60  }
0xbc: {  	v35 =	vsel vm15, $0x3A, v35;
	vm9 =	vgt.f32 v49, v27;
	vm10 =	vgt.f32 v49, v30  }
0xbd: {  	v38 =	vld [tilespmem:s22+$0x3A00];
	vm7 =	vgt.f32 v37, v32;
	v33 =	vsel vm6, $0x3B, v33;
	vm6 =	vgt.f32 v12, v8  }
0xbe: {  	v28 =	vsel vm10, $0x37, v28;
	v30 =	vsel vm10, v49, v30;
	v31 =	vsel vm9, $0x37, v53  }
0xbf: {  	v34 =	vsel vm7, v32, v34;
	v32 =	vsel vm7, v37, v32;
	v33 =	vsel vm7, v35, v33  }
0xc0: {  	v35 =	vsel vm7, $0x3B, v35;
	v6 =	vsel vm6, v10, v6;
	v44 =	vsel vm6, v9, v5  }
0xc1: {  	v61 =	vld [tilespmem:s22+$0x3A80];
	v5 =	vsel vm6, v5, v9;
	v4 =	vsel vm6, v7, v4;
	v30 =	vsel vm9, v27, v30  }
0xc2: {  	v27 =	vsel vm9, v49, v27;
	v28 =	vsel vm9, v53, v28;
	vm8 =	vgt.f32 v38, v34  }
0xc3: {  	vm9 =	vgt.f32 v38, v32;
	v34 =	vsel vm8, v38, v34;
	v33 =	vsel vm8, $0x3C, v33  }
0xc4: {  	v34 =	vsel vm9, v32, v34;
	v32 =	vsel vm9, v38, v32;
	v33 =	vsel vm9, v35, v33  }
0xc5: {  	v35 =	vsel vm9, $0x3C, v35;
	v38 =	vsel vm6, v8, v12;
	v8 =	vsel vm6, v12, v8  }
0xc6: {  	vm10 =	vgt.f32 v61, v34;
	vm11 =	vgt.f32 v61, v32;
	vm7 =	vgt.f32 v6, v38  }
0xc7: {  	v62 =	vld [tilespmem:s22+$0x3B00];
	vm14 =	vgt.f32 v16, v8;
	v34 =	vsel vm10, v61, v34;
	v33 =	vsel vm10, $0x3D, v33  }
0xc8: {  	v6 =	vsel vm7, v6, v38;
	v40 =	vsel vm14, v8, v16;
	v8 =	vsel vm14, v16, v8  }
0xc9: {  	v4 =	vsel vm7, v4, v5;
	v47 =	vsel vm14, v13, v44;
	v48 =	vsel vm14, v44, v13  }
0xca: {  	v34 =	vsel vm11, v32, v34;
	v33 =	vsel vm11, v35, v33;
	v32 =	vsel vm11, v61, v32  }
0xcb: {  	v35 =	vsel vm11, $0x3D, v35;
	v6 =	vsel vm14, v14, v6;
	vm15 =	vgt.f32 v20, v8  }
0xcc: {  	v4 =	vsel vm14, v11, v4;
	vm12 =	vgt.f32 v62, v34;
	vm8 =	vgt.f32 v6, v40  }
0xcd: {  	vm13 =	vgt.f32 v62, v32;
	v43 =	vsel vm15, v8, v20;
	v6 =	vsel vm8, v6, v40  }
0xce: {  	v8 =	vsel vm15, v20, v8;
	v50 =	vsel vm15, v17, v47;
	v6 =	vsel vm15, v19, v6  }
0xcf: {  	v33 =	vsel vm12, $0x3E, v33;
	v34 =	vsel vm12, v62, v34;
	vm5 =	vgt.f32 v6, v43  }
0xd0: {  	v63 =	vld [tilespmem:s22+$0x3B80];
	v39 =	vsel vm13, v62, v32;
	vm3 =	vgt.f32 v24, v8;
	v6 =	vsel vm5, v6, v43  }
0xd1: {  	v4 =	vsel vm8, v4, v48;
	v45 =	vsel vm3, v8, v24;
	v6 =	vsel vm3, v22, v6  }
0xd2: {  	v33 =	vsel vm13, v35, v33;
	v46 =	vsel vm3, v24, v8;
	vm9 =	vgt.f32 v6, v45  }
0xd3: {  	v34 =	vsel vm13, v32, v34;
	vm6 =	vgt.f32 v29, v46;
	v5 =	vsel vm9, v6, v45  }
0xd4: {  	v35 =	vsel vm13, $0x3E, v35;
	v8 =	vsel vm6, v46, v29;
	v5 =	vsel vm6, v26, v5  }
0xd5: {  	vm0 =	vgt.f32 v63, v39;
	v7 =	vsel vm6, v29, v46;
	vm12 =	vgt.f32 v5, v8  }
0xd6: {  	vm1 =	vgt.f32 v63, v34;
	vm13 =	vgt.f32 v27, v7;
	v5 =	vsel vm12, v5, v8  }
0xd7: {  	v12 =	vsel vm0, v63, v39;
	v49 =	vsel vm13, v7, v27;
	v5 =	vsel vm13, v30, v5  }
0xd8: {  	v41 =	vsel vm1, v63, v34;
	v7 =	vsel vm13, v27, v7;
	vm14 =	vgt.f32 v5, v49  }
0xd9: {  	v42 =	vsel vm0, v39, v41;
	vm10 =	vgt.f32 v12, v7;
	v5 =	vsel vm14, v5, v49  }
0xda: {  	v4 =	vsel vm15, v15, v4;
	v51 =	vsel vm10, v7, v12;
	v5 =	vsel vm10, v42, v5  }
0xdb: {  	v52 =	vsel vm3, v50, v21;
	v6 =	vsel vm15, v47, v17;
	vm15 =	vgt.f32 v5, v51  }
0xdc: {  	v4 =	vsel vm5, v4, v6;
	v7 =	vsel vm10, v12, v7;
	v5 =	vsel vm15, v5, v51  }
0xdd: {  	v53 =	vsel vm3, v21, v50;
	v4 =	vsel vm3, v18, v4;
	v54 =	vadd.f32 v5, v7  }
0xde: {  	v59 =	vsel vm0, $0x3F, v35;
	v55 =	vsel vm1, $0x3F, v33;
	v4 =	vsel vm9, v4, v52  }
0xdf: {  	v56 =	vsel vm6, v53, v25;
	v4 =	vsel vm6, v23, v4;
	(erf) = vrcp.f32 v54  }
0xe0: {  	v6 =	vshll.u32 v57, $0x7;
	v8 =	vsel vm6, v25, v53;
	v4 =	vsel vm12, v4, v56  }
0xe1: {  	v58 =	vsel vm13, v31, v8;
	v8 =	vsel vm13, v8, v31;
	v4 =	vsel vm13, v28, v4  }
0xe2: {  	v9 =	vsel vm0, v35, v55;
	v6 =	vor.u32 v2, v6;
	v4 =	vsel vm14, v4, v8  }
0xe3: {  	v60 =	vsel vm10, v59, v58;
	v10 =	vsel vm10, v58, v59;
	v4 =	vsel vm10, v9, v4  }
0xe4: {  	v61 =	vor.u32 v6, v60;
	v4 =	vsel vm15, v4, v10  }
0xe5: {  	v10 =	vor.u32 v6, v4;
	_ =	sdelay $0x2  }
0xe6: {  	v62 =	vpop (erf)  }
0xe7: {  	p0 =	sne.s32 s21, $0xF0;
	v63 =	vor.u32 $0x1, v6;
	[tilespmem:v61+s14+$0x0] =	vst.idx.msk $0xffff, v3;
	v7 =	vmul.f32 v62, v7  }
.Ltmp1:
0xe8: {  	[tilespmem:v10+s14+$0x0] =	vst.idx.msk $0xffff, v3;
	v5 =	vmul.f32 v62, v5;
	(pc) =	sbr.rel @p0 .LBB2_5-.Ltmp1, $4  }
0xe9: {  	[tilespmem:v61+s15+$0x0] =	vst.idx.msk $0xffff, v7  }
0xea: {  	[tilespmem:v10+s15+$0x0] =	vst.idx.msk $0xffff, v5  }
0xeb: {  	[tilespmem:v6+s16+$0x0] =	vst.idx.msk $0xffff, v60  }
0xec: {  	s20 =	sadd.s32 $0x80, s20;
	s21 =	sadd.s32 $0x10, s21;
	[tilespmem:v63+s16+$0x0] =	vst.idx.msk $0xffff, v4  }
0xed: {  	s19 =	sshll.u32 s19, $0x7  }
0xee: {  	s19 =	sadd.s32 s9, s19  }
0xef: {  	s19 =	sshrl.u32 s19, $0x3  }
0xf0: {  	s21 =	simm.s32 $0x0;
	s20 =	sadd.s32 s3, s19  }
0xf1: {  	[hbm4b:s20+s21] =	stream.linear.scatter [tilespmem:s14], [sflag:$0x1], $0x8000, $0x38;
	[tilespmem:$0x1C000] =	vst v63  }
0xf2: {  	s30 =	sadd.s32 s5, s19  }
0xf3: {  	[hbm4b:s30+s21] =	stream.linear.scatter [tilespmem:s15], [sflag:$0x1], $0x8000, $0x38;
	[tilespmem:$0x1C000] =	vst v63  }
0xf4: {  	s19 =	sadd.s32 s4, s19  }
0xf5: {  	[hbm4b:s19+s21] =	stream.linear.scatter [tilespmem:s16], [sflag:$0x1], $0x8000, $0x38;
	[tilespmem:$0x1C000] =	vst v63  }
0xf6: {  	_ =	swait.ge [sflag:s6], $0x8000  }
0xf7: {  	[sflag:s6] =	ssyncset.done $0x0  }
0xf8: {  	v4 =	vmov s21;
	[sflag:s6] =	ssyncadd.s32 $0xFFFF8000  }
0xf9: {  	v4 =	vshll.u32 v4, $0x7;
	_ =	swait.ge [sflag:s6], $0x8000  }
0xfa: {  	v4 =	vor.u32 v2, v4;
	[sflag:s6] =	ssyncset.done $0x0  }
0xfb: {  	v5 =	vor.u32 $0x1, v4;
	[sflag:s6] =	ssyncadd.s32 $0xFFFF8000  }
0xfc: {  	_ =	swait.ge [sflag:s6], $0x8000  }
0xfd: {  	[sflag:s6] =	ssyncset.done $0x0  }
0xfe: {  	[sflag:s6] =	ssyncadd.s32 $0xFFFF8000  }
0xff: {  	v6 =	vld.idx.msk [tilespmem:v4+s16+$0x0], $0xffff  }
0x100: {  	v5 =	vld.idx.msk [tilespmem:v5+s16+$0x0], $0xffff;
	_ =	sdelay $0x3  }
0x101: {  	v7 =	vand.u32 $0xFFFFFF80, v6  }
0x102: {  	v6 =	vand.u32 $0x7F, v6;
	v8 =	vand.u32 $0xFFFFFF80, v5;
	v7 =	vadd.s32 v4, v7  }
0x103: {  	v5 =	vand.u32 $0x7F, v5;
	v4 =	vadd.s32 v4, v8;
	v7 =	vor.u32 v6, v7  }
0x104: {  	s31 =	simm.s32 $0x10;
	v5 =	vor.u32 v5, v4  }
0x105: {  	v4 =	vmov s31  }
0x106: {  	v4 =	vshll.u32 v4, $0x7  }
0x107: {  	v4 =	vor.u32 v2, v4  }
0x108: {  	v6 =	vor.u32 $0x1, v4;
	[tilespmem:v7+s14+$0x0] =	vst.idx.msk $0xffff, v0  }
0x109: {  	[tilespmem:v5+s14+$0x0] =	vst.idx.msk $0xffff, v0  }
0x10a: {  	s19 =	simm.s32 $0x20;
	[tilespmem:v7+s15+$0x0] =	vst.idx.msk $0xffff, v0  }
.LBB2_7:
0x10b: {  	p0 =	sne.s32 s19, $0xF0;
	[tilespmem:v5+s15+$0x0] =	vst.idx.msk $0xffff, v0;
	s20 =	smov.u32 s19;
	s19 =	sadd.s32 $0x10, s19  }
0x10c: {  	v5 =	vld.idx.msk [tilespmem:v4+s16+$0x0], $0xffff  }
0x10d: {  	v6 =	vld.idx.msk [tilespmem:v6+s16+$0x0], $0xffff;
	_ =	sdelay $0x4  }
0x10e: {  	v7 =	vand.u32 $0xFFFFFF80, v5  }
0x10f: {  	v5 =	vand.u32 $0x7F, v5;
	v7 =	vadd.s32 v4, v7;
	v8 =	vand.u32 $0xFFFFFF80, v6  }
0x110: {  	v7 =	vor.u32 v5, v7;
	v5 =	vand.u32 $0x7F, v6;
	v4 =	vadd.s32 v4, v8  }
0x111: {  	v5 =	vor.u32 v5, v4  }
0x112: {  	v4 =	vmov s20  }
.Ltmp2:
0x113: {  	v4 =	vshll.u32 v4, $0x7;
	(pc) =	sbr.rel @p0 .LBB2_7-.Ltmp2, $4  }
0x114: {  	v4 =	vor.u32 v2, v4  }
0x115: {  	v6 =	vor.u32 $0x1, v4;
	[tilespmem:v7+s14+$0x0] =	vst.idx.msk $0xffff, v0  }
0x116: {  	[tilespmem:v5+s14+$0x0] =	vst.idx.msk $0xffff, v0  }
0x117: {  	[tilespmem:v7+s15+$0x0] =	vst.idx.msk $0xffff, v0  }
0x118: {  	_ =	sdelay $0x3  }
0x119: {  	[tilespmem:v5+s15+$0x0] =	vst.idx.msk $0xffff, v0  }
0x11a: {  	v5 =	vld.idx.msk [tilespmem:v4+s16+$0x0], $0xffff  }
0x11b: {  	v6 =	vld.idx.msk [tilespmem:v6+s16+$0x0], $0xffff;
	_ =	sdelay $0x3  }
0x11c: {  	v7 =	vand.u32 $0xFFFFFF80, v5  }
0x11d: {  	v5 =	vand.u32 $0x7F, v5;
	v8 =	vand.u32 $0xFFFFFF80, v6;
	v7 =	vadd.s32 v4, v7  }
0x11e: {  	v6 =	vand.u32 $0x7F, v6;
	v4 =	vadd.s32 v4, v8;
	v5 =	vor.u32 v5, v7  }
0x11f: {  	v4 =	vor.u32 v6, v4  }
0x120: {  	s18 =	sadd.s32 $0x1, s18  }
0x121: {  	p0 =	sne.s32 s18, $0x4  }
.Ltmp3:
0x122: {  	_ = 	snop;
	(pc) =	sbr.rel @p0 .LBB2_4-.Ltmp3, $4  }
0x123: {  	[tilespmem:v5+s14+$0x0] =	vst.idx.msk $0xffff, v0  }
0x124: {  	[tilespmem:v4+s14+$0x0] =	vst.idx.msk $0xffff, v0  }
0x125: {  	[tilespmem:v5+s15+$0x0] =	vst.idx.msk $0xffff, v0  }
0x126: {  	[tilespmem:v4+s15+$0x0] =	vst.idx.msk $0xffff, v0  }
0x127: {  	s2 =	sadd.s32 $0x1, s2  }
0x128: {  	p0 =	sne.s32 s2, s10  }
.Ltmp4:
0x129: {  	_ = 	snop;
	(pc) =	sbr.rel @p0 .LBB2_1-.Ltmp4, $1  }
0x12a: {  	_ =	sdelay $0x3  }
0x12b: {  	_ =	sfence.sel $0x180000  }
0x12c: {  	[bflag:$0x0] =	sbarrier.arrive $0xFFFF  }
0x12d: {  	p0 =	sne.s32 s1, $0x0;
	_ =	strace $0x90000047  }
0x12e: {  	s0 =	sadd.s32 @!p0 $0x100000, s0;
	[bflag:$0x2] =	sbarrier.arrive $0xFFFF  }
0x12f: {  	[sflag:s0] =	ssyncadd.tile.s32 @!p0 $0x1;
	_ =	shalt  }
.Lfunc_end2:
_tile_overlayer_lowered:
.L_overlay_start_2:
0x130: {  	(tag) =	ssettag $0x2  }
0x131: {  	s0 =	rddreg [dreg:$0x0];
	s2 =	stileid.u32  }
0x132: {  	s1 =	rddreg [dreg:$0x1];
	p0 =	sne.s32 s2, $0x0  }
0x133: {  	s3 =	rddreg [dreg:$0x2];
	[bflag:$0x3] =	sbarrier.arrive $0xFFFF;
	s2 =	simm.s32 @!p0 $0x1C02  }
0x134: {  	[timem:s3], [sflag:s2] =	dma.local @!p0 [hbm:s0], s1  }
0x135: {  	s0 =	simm.s32 @!p0 $0x2  }
0x136: {  	_ =	swait.ge @!p0 [sflag:s0], s1  }
0x137: {  	s1 =	ssub.s32 @!p0 $0x0, s1;
	[sflag:s0] =	ssyncset.done @!p0 $0x0  }
0x138: {  	[sflag:s0] =	ssyncadd.s32 @!p0 s1  }
0x139: {  	[bflag:$0x3] =	sbarrier.arrive $0xFFFF  }
0x13a: {  	_ =	shalt  }

</sc_bundles>
